<compile_context>
chip_gen: v7x
topology: tpu7x:2x2x1
jax: 0.10.2.dev20260603
libtpu: 0.0.44.dev20260713+nightly
codegen_flags: <defaults>
</compile_context>

<pallas_src>
import functools

import jax
import jax.numpy as jnp
from jax import lax
from jax.experimental import pallas as pl
from jax.experimental.pallas import tpu as pltpu
from jax.experimental.pallas import tpu_sc as plsc

VOCAB = 1000000
DIM = 64
BATCH = 16384
FIELDS = 100

NC = 2
NS = 16
NW = NC * NS

B = BATCH * FIELDS
B_PER_W = B // NW
IDXW = 128
KGATH = 2
NBUF = 4
CHUNK = IDXW * KGATH
NCHUNK = B_PER_W // CHUNK
IROWS = B_PER_W // IDXW
IHALF = IROWS // 2
GHALF = NCHUNK // 2


def _gather_body(table_hbm, idx_hbm, out_hbm, idx_all, *scratch):
    rows = scratch[:NBUF]
    gsems = scratch[NBUF:2 * NBUF]
    wsems = scratch[2 * NBUF:3 * NBUF]
    isem0 = scratch[3 * NBUF]
    isem1 = scratch[3 * NBUF + 1]

    wid = lax.axis_index("s") * NC + lax.axis_index("c")
    base = wid * B_PER_W
    ibase = pl.multiple_of(wid * IROWS, 8)

    pltpu.async_copy(
        idx_hbm.at[pl.ds(ibase, IHALF)], idx_all.at[pl.ds(0, IHALF)], isem0
    )
    pltpu.async_copy(
        idx_hbm.at[pl.ds(ibase + IHALF, IHALF)],
        idx_all.at[pl.ds(IHALF, IHALF)],
        isem1,
    )
    pltpu.make_async_copy(
        idx_hbm.at[pl.ds(0, IHALF)], idx_all.at[pl.ds(0, IHALF)], isem0
    ).wait()

    def fire_gathers(g, b):
        for k in range(KGATH):
            pltpu.async_copy(
                table_hbm.at[idx_all.at[g * KGATH + k]],
                rows[b].at[pl.ds(k * IDXW, IDXW)],
                gsems[b],
            )

    def drain_gathers(b):
        pltpu.make_async_copy(
            out_hbm.at[pl.ds(0, CHUNK)], rows[b], gsems[b]
        ).wait()

    def fire_wb(g, b):
        pltpu.async_copy(
            rows[b], out_hbm.at[pl.ds(base + g * CHUNK, CHUNK)], wsems[b]
        )

    def drain_wb(b):
        pltpu.make_async_copy(
            rows[b], out_hbm.at[pl.ds(0, CHUNK)], wsems[b]
        ).wait()

    for b in range(NBUF):
        fire_gathers(b, b)

    def make_body(extra_wait):
        def body(j, carry):
            g0 = NBUF * j
            if extra_wait:
                pltpu.make_async_copy(
                    idx_hbm.at[pl.ds(0, IHALF)],
                    idx_all.at[pl.ds(0, IHALF)],
                    isem1,
                ).wait()
            for b in range(NBUF):
                drain_gathers(b)
                fire_wb(g0 + b, b)
            for b in range(NBUF):
                drain_wb(b)
                fire_gathers(g0 + b + NBUF, b)
            return carry
        return body

    half_groups = GHALF // NBUF
    lax.fori_loop(0, half_groups - 1, make_body(False), 0)
    make_body(True)(half_groups - 1, 0)
    lax.fori_loop(half_groups, NCHUNK // NBUF - 1, make_body(False), 0)

    g0 = NCHUNK - NBUF
    for b in range(NBUF):
        drain_gathers(b)
        fire_wb(g0 + b, b)
    for b in range(NBUF):
        drain_wb(b)


@functools.partial(jax.jit, static_argnames=())
def kernel(input_ids, weight):
    flat = input_ids.reshape(B // IDXW, IDXW).astype(jnp.int32)
    mesh = plsc.VectorSubcoreMesh(core_axis_name="c", subcore_axis_name="s")
    scratch = (
        [pltpu.VMEM((CHUNK, DIM), jnp.float32)] * NBUF
        + [pltpu.SemaphoreType.DMA] * (2 * NBUF + 2)
    )
    out = pl.kernel(
        _gather_body,
        out_type=jax.ShapeDtypeStruct((B, DIM), jnp.float32),
        mesh=mesh,
        scratch_types=[pltpu.VMEM((IROWS, IDXW), jnp.int32)] + scratch,
        compiler_params=pltpu.CompilerParams(use_tc_tiling_on_sc=False),
    )(weight, flat)
    return out.reshape(BATCH, FIELDS, DIM)

# --- scband reference (transcript-rebuilt; emitter-appended) ---
"""Pipeline reference for scband-embedding-26826365731358 (READ-ONLY COPY).

The authoritative reference and input builder live on the scoring server;
editing this copy changes nothing except your own understanding.
"""

import jax, jax.numpy as jnp
import numpy as np

VOCAB = 1000000
DIM = 64
BATCH = 16384
FIELDS = 100

def setup_inputs(seed: int = 0) -> dict:
    key = jax.random.key(seed)
    k_idx, k_w = jax.random.split(key)
    input_ids = jax.random.randint(k_idx, (BATCH, FIELDS), 0, VOCAB, dtype=jnp.int64 if jax.config.jax_enable_x64 else jnp.int32)
    weight = jax.random.normal(k_w, (VOCAB, DIM), dtype=jnp.float32) * 0.02
    return {"input_ids": input_ids, "weight": weight}

def reference(input_ids, weight):
    flat = input_ids.reshape(-1)
    out = jnp.take(weight, flat, axis=0)
    return out.reshape(*input_ids.shape, -1)

if __name__ == "__main__":
    import jax
    _d = setup_inputs()
    print(jax.jit(kernel)(*tuple(_d.values())))

</pallas_src>

<mosaic_0001>
#map = affine_map<(d0, d1) -> (0, 0)>
module attributes {stable_mosaic.version = 14 : i64} {
  func.func @_gather_body(%arg0: i32, %arg1: i32, %arg2: memref<1000000x64xf32, #tpu.memory_space<hbm>>, %arg3: memref<12800x128xi32, #tpu.memory_space<hbm>>, %arg4: memref<1638400x64xf32, #tpu.memory_space<hbm>>, %arg5: memref<400x128xi32, #tpu.memory_space<vmem>>, %arg6: memref<256x64xf32, #tpu.memory_space<vmem>>, %arg7: memref<256x64xf32, #tpu.memory_space<vmem>>, %arg8: memref<256x64xf32, #tpu.memory_space<vmem>>, %arg9: memref<256x64xf32, #tpu.memory_space<vmem>>, %arg10: memref<!tpu.dma_semaphore, #tpu.memory_space<semaphore_mem>>, %arg11: memref<!tpu.dma_semaphore, #tpu.memory_space<semaphore_mem>>, %arg12: memref<!tpu.dma_semaphore, #tpu.memory_space<semaphore_mem>>, %arg13: memref<!tpu.dma_semaphore, #tpu.memory_space<semaphore_mem>>, %arg14: memref<!tpu.dma_semaphore, #tpu.memory_space<semaphore_mem>>, %arg15: memref<!tpu.dma_semaphore, #tpu.memory_space<semaphore_mem>>, %arg16: memref<!tpu.dma_semaphore, #tpu.memory_space<semaphore_mem>>, %arg17: memref<!tpu.dma_semaphore, #tpu.memory_space<semaphore_mem>>, %arg18: memref<!tpu.dma_semaphore, #tpu.memory_space<semaphore_mem>>, %arg19: memref<!tpu.dma_semaphore, #tpu.memory_space<semaphore_mem>>) attributes {dimension_semantics = [#tpu.dimension_semantics<core_parallel>, #tpu.dimension_semantics<subcore_parallel>], iteration_bounds = array<i64: 2, 16>, scalar_prefetch = 0 : i64, scratch_operands = 15 : i64, tpu.core_type = #tpu.core_type<sc_vector_subcore>, window_params = [{transform_indices = #map}, {transform_indices = #map}, {transform_indices = #map}]} {
    %mul3A = arith.constant 2 : i32
    %mul3A_0 = arith.muli %arg1, %mul3A : i32
    %add3A = arith.addi %mul3A_0, %arg0 : i32
    %mul3A_1 = arith.constant 51200 : i32
    %mul3A_2 = arith.muli %add3A, %mul3A_1 : i32
    %mul3A_3 = arith.constant 400 : i32
    %mul3A_4 = arith.muli %add3A, %mul3A_3 : i32
    %multiple_of3A = tpu.assume_multiple %mul3A_4, 8 : i32
    %dma_start3A = arith.constant 0 : i32
    %dma_start3A_5 = arith.constant 0 : i32
    %dma_start3A_6 = tpu.memref_slice %arg5[%dma_start3A, %dma_start3A_5] : memref<400x128xi32, #tpu.memory_space<vmem>> -> memref<200x128xi32, #tpu.memory_space<vmem>>
    %dma_start3A_7 = arith.constant 0 : i32
    %dma_start3A_8 = tpu.memref_slice %arg3[%multiple_of3A, %dma_start3A_7] : memref<12800x128xi32, #tpu.memory_space<hbm>> -> memref<200x128xi32, #tpu.memory_space<hbm>>
    %dma_start3A_9 = arith.constant 0 : i32
    %dma_start3A_10 = arith.constant 0 : i32
    %dma_start3A_11 = tpu.memref_slice %arg5[%dma_start3A_9, %dma_start3A_10] : memref<400x128xi32, #tpu.memory_space<vmem>> -> memref<200x128xi32, #tpu.memory_space<vmem>>
    %dma_start3A_12 = arith.constant 0 : i32
    %dma_start3A_13 = tpu.memref_slice %arg3[%multiple_of3A, %dma_start3A_12] : memref<12800x128xi32, #tpu.memory_space<hbm>> -> memref<200x128xi32, #tpu.memory_space<hbm>>
    tpu.enqueue_dma source(%dma_start3A_13 : memref<200x128xi32, #tpu.memory_space<hbm>>) target(%dma_start3A_11 : memref<200x128xi32, #tpu.memory_space<vmem>>) target_semaphore(%arg18 : memref<!tpu.dma_semaphore, #tpu.memory_space<semaphore_mem>>)
    %add3A_14 = arith.constant 200 : i32
    %add3A_15 = arith.addi %multiple_of3A, %add3A_14 : i32
    %dma_start3A_16 = arith.constant 200 : i32
    %dma_start3A_17 = arith.constant 0 : i32
    %dma_start3A_18 = tpu.memref_slice %arg5[%dma_start3A_16, %dma_start3A_17] : memref<400x128xi32, #tpu.memory_space<vmem>> -> memref<200x128xi32, #tpu.memory_space<vmem>>
    %dma_start3A_19 = arith.constant 0 : i32
    %dma_start3A_20 = tpu.memref_slice %arg3[%add3A_15, %dma_start3A_19] : memref<12800x128xi32, #tpu.memory_space<hbm>> -> memref<200x128xi32, #tpu.memory_space<hbm>>
    %dma_start3A_21 = arith.constant 200 : i32
    %dma_start3A_22 = arith.constant 0 : i32
    %dma_start3A_23 = tpu.memref_slice %arg5[%dma_start3A_21, %dma_start3A_22] : memref<400x128xi32, #tpu.memory_space<vmem>> -> memref<200x128xi32, #tpu.memory_space<vmem>>
    %dma_start3A_24 = arith.constant 0 : i32
    %dma_start3A_25 = tpu.memref_slice %arg3[%add3A_15, %dma_start3A_24] : memref<12800x128xi32, #tpu.memory_space<hbm>> -> memref<200x128xi32, #tpu.memory_space<hbm>>
    tpu.enqueue_dma source(%dma_start3A_25 : memref<200x128xi32, #tpu.memory_space<hbm>>) target(%dma_start3A_23 : memref<200x128xi32, #tpu.memory_space<vmem>>) target_semaphore(%arg19 : memref<!tpu.dma_semaphore, #tpu.memory_space<semaphore_mem>>)
    %dma_wait3A = arith.constant 0 : i32
    %dma_wait3A_26 = arith.constant 0 : i32
    %dma_wait3A_27 = tpu.memref_slice %arg5[%dma_wait3A, %dma_wait3A_26] : memref<400x128xi32, #tpu.memory_space<vmem>> -> memref<200x128xi32, #tpu.memory_space<vmem>>
    %dma_wait3A_28 = arith.constant 0 : i32
    %dma_wait3A_29 = arith.constant 0 : i32
    %dma_wait3A_30 = tpu.memref_slice %arg3[%dma_wait3A_28, %dma_wait3A_29] : memref<12800x128xi32, #tpu.memory_space<hbm>> -> memref<200x128xi32, #tpu.memory_space<hbm>>
    %dma_wait3A_31 = arith.constant 0 : i32
    %dma_wait3A_32 = arith.constant 0 : i32
    %dma_wait3A_33 = tpu.memref_slice %arg5[%dma_wait3A_31, %dma_wait3A_32] : memref<400x128xi32, #tpu.memory_space<vmem>> -> memref<200x128xi32, #tpu.memory_space<vmem>>
    %dma_wait3A_34 = arith.constant 0 : i32
    %dma_wait3A_35 = arith.constant 0 : i32
    %dma_wait3A_36 = tpu.memref_slice %arg3[%dma_wait3A_34, %dma_wait3A_35] : memref<12800x128xi32, #tpu.memory_space<hbm>> -> memref<200x128xi32, #tpu.memory_space<hbm>>
    tpu.wait_dma2 semaphore(%arg18 : memref<!tpu.dma_semaphore, #tpu.memory_space<semaphore_mem>>) src(%dma_wait3A_36 : memref<200x128xi32, #tpu.memory_space<hbm>>) dst(%dma_wait3A_33 : memref<200x128xi32, #tpu.memory_space<vmem>>)
    %dma_start3A_37 = arith.constant 0 : i32
    %dma_start3A_38 = arith.constant 0 : i32
    %dma_start3A_39 = arith.constant 0 : i32
    %dma_start3A_40 = tpu.memref_slice %arg6[%dma_start3A_38, %dma_start3A_39] : memref<256x64xf32, #tpu.memory_space<vmem>> -> memref<128x64xf32, #tpu.memory_space<vmem>>
    %dma_start3A_41 = arith.constant 0 : i32
    %dma_start3A_42 = tpu.memref_slice %arg5[%dma_start3A_37, %dma_start3A_41] : memref<400x128xi32, #tpu.memory_space<vmem>> -> memref<1x128xi32, #tpu.memory_space<vmem>>
    %dma_start3A_43 = tpu.memref_squeeze %dma_start3A_42 : memref<1x128xi32, #tpu.memory_space<vmem>> -> memref<128xi32, #tpu.memory_space<vmem>>
    %dma_start3A_44 = arith.constant 0 : i32
    %dma_start3A_45 = arith.constant 0 : i32
    %dma_start3A_46 = tpu.memref_slice %arg2[%dma_start3A_44, %dma_start3A_45] : memref<1000000x64xf32, #tpu.memory_space<hbm>> -> memref<1000000x64xf32, #tpu.memory_space<hbm>>
    tpu.enqueue_indirect_dma source(%dma_start3A_46 : memref<1000000x64xf32, #tpu.memory_space<hbm>>) target(%dma_start3A_40 : memref<128x64xf32, #tpu.memory_space<vmem>>) offsets(%dma_start3A_43 : memref<128xi32, #tpu.memory_space<vmem>>) semaphore(%arg10 : memref<!tpu.dma_semaphore, #tpu.memory_space<semaphore_mem>>)
    %dma_start3A_47 = arith.constant 1 : i32
    %dma_start3A_48 = arith.constant 128 : i32
    %dma_start3A_49 = arith.constant 0 : i32
    %dma_start3A_50 = tpu.memref_slice %arg6[%dma_start3A_48, %dma_start3A_49] : memref<256x64xf32, #tpu.memory_space<vmem>> -> memref<128x64xf32, #tpu.memory_space<vmem>>
    %dma_start3A_51 = arith.constant 0 : i32
    %dma_start3A_52 = tpu.memref_slice %arg5[%dma_start3A_47, %dma_start3A_51] : memref<400x128xi32, #tpu.memory_space<vmem>> -> memref<1x128xi32, #tpu.memory_space<vmem>>
    %dma_start3A_53 = tpu.memref_squeeze %dma_start3A_52 : memref<1x128xi32, #tpu.memory_space<vmem>> -> memref<128xi32, #tpu.memory_space<vmem>>
    %dma_start3A_54 = arith.constant 0 : i32
    %dma_start3A_55 = arith.constant 0 : i32
    %dma_start3A_56 = tpu.memref_slice %arg2[%dma_start3A_54, %dma_start3A_55] : memref<1000000x64xf32, #tpu.memory_space<hbm>> -> memref<1000000x64xf32, #tpu.memory_space<hbm>>
    tpu.enqueue_indirect_dma source(%dma_start3A_56 : memref<1000000x64xf32, #tpu.memory_space<hbm>>) target(%dma_start3A_50 : memref<128x64xf32, #tpu.memory_space<vmem>>) offsets(%dma_start3A_53 : memref<128xi32, #tpu.memory_space<vmem>>) semaphore(%arg10 : memref<!tpu.dma_semaphore, #tpu.memory_space<semaphore_mem>>)
    %dma_start3A_57 = arith.constant 2 : i32
    %dma_start3A_58 = arith.constant 0 : i32
    %dma_start3A_59 = arith.constant 0 : i32
    %dma_start3A_60 = tpu.memref_slice %arg7[%dma_start3A_58, %dma_start3A_59] : memref<256x64xf32, #tpu.memory_space<vmem>> -> memref<128x64xf32, #tpu.memory_space<vmem>>
    %dma_start3A_61 = arith.constant 0 : i32
    %dma_start3A_62 = tpu.memref_slice %arg5[%dma_start3A_57, %dma_start3A_61] : memref<400x128xi32, #tpu.memory_space<vmem>> -> memref<1x128xi32, #tpu.memory_space<vmem>>
    %dma_start3A_63 = tpu.memref_squeeze %dma_start3A_62 : memref<1x128xi32, #tpu.memory_space<vmem>> -> memref<128xi32, #tpu.memory_space<vmem>>
    %dma_start3A_64 = arith.constant 0 : i32
    %dma_start3A_65 = arith.constant 0 : i32
    %dma_start3A_66 = tpu.memref_slice %arg2[%dma_start3A_64, %dma_start3A_65] : memref<1000000x64xf32, #tpu.memory_space<hbm>> -> memref<1000000x64xf32, #tpu.memory_space<hbm>>
    tpu.enqueue_indirect_dma source(%dma_start3A_66 : memref<1000000x64xf32, #tpu.memory_space<hbm>>) target(%dma_start3A_60 : memref<128x64xf32, #tpu.memory_space<vmem>>) offsets(%dma_start3A_63 : memref<128xi32, #tpu.memory_space<vmem>>) semaphore(%arg11 : memref<!tpu.dma_semaphore, #tpu.memory_space<semaphore_mem>>)
    %dma_start3A_67 = arith.constant 3 : i32
    %dma_start3A_68 = arith.constant 128 : i32
    %dma_start3A_69 = arith.constant 0 : i32
    %dma_start3A_70 = tpu.memref_slice %arg7[%dma_start3A_68, %dma_start3A_69] : memref<256x64xf32, #tpu.memory_space<vmem>> -> memref<128x64xf32, #tpu.memory_space<vmem>>
    %dma_start3A_71 = arith.constant 0 : i32
    %dma_start3A_72 = tpu.memref_slice %arg5[%dma_start3A_67, %dma_start3A_71] : memref<400x128xi32, #tpu.memory_space<vmem>> -> memref<1x128xi32, #tpu.memory_space<vmem>>
    %dma_start3A_73 = tpu.memref_squeeze %dma_start3A_72 : memref<1x128xi32, #tpu.memory_space<vmem>> -> memref<128xi32, #tpu.memory_space<vmem>>
    %dma_start3A_74 = arith.constant 0 : i32
    %dma_start3A_75 = arith.constant 0 : i32
    %dma_start3A_76 = tpu.memref_slice %arg2[%dma_start3A_74, %dma_start3A_75] : memref<1000000x64xf32, #tpu.memory_space<hbm>> -> memref<1000000x64xf32, #tpu.memory_space<hbm>>
    tpu.enqueue_indirect_dma source(%dma_start3A_76 : memref<1000000x64xf32, #tpu.memory_space<hbm>>) target(%dma_start3A_70 : memref<128x64xf32, #tpu.memory_space<vmem>>) offsets(%dma_start3A_73 : memref<128xi32, #tpu.memory_space<vmem>>) semaphore(%arg11 : memref<!tpu.dma_semaphore, #tpu.memory_space<semaphore_mem>>)
    %dma_start3A_77 = arith.constant 4 : i32
    %dma_start3A_78 = arith.constant 0 : i32
    %dma_start3A_79 = arith.constant 0 : i32
    %dma_start3A_80 = tpu.memref_slice %arg8[%dma_start3A_78, %dma_start3A_79] : memref<256x64xf32, #tpu.memory_space<vmem>> -> memref<128x64xf32, #tpu.memory_space<vmem>>
    %dma_start3A_81 = arith.constant 0 : i32
    %dma_start3A_82 = tpu.memref_slice %arg5[%dma_start3A_77, %dma_start3A_81] : memref<400x128xi32, #tpu.memory_space<vmem>> -> memref<1x128xi32, #tpu.memory_space<vmem>>
    %dma_start3A_83 = tpu.memref_squeeze %dma_start3A_82 : memref<1x128xi32, #tpu.memory_space<vmem>> -> memref<128xi32, #tpu.memory_space<vmem>>
    %dma_start3A_84 = arith.constant 0 : i32
    %dma_start3A_85 = arith.constant 0 : i32
    %dma_start3A_86 = tpu.memref_slice %arg2[%dma_start3A_84, %dma_start3A_85] : memref<1000000x64xf32, #tpu.memory_space<hbm>> -> memref<1000000x64xf32, #tpu.memory_space<hbm>>
    tpu.enqueue_indirect_dma source(%dma_start3A_86 : memref<1000000x64xf32, #tpu.memory_space<hbm>>) target(%dma_start3A_80 : memref<128x64xf32, #tpu.memory_space<vmem>>) offsets(%dma_start3A_83 : memref<128xi32, #tpu.memory_space<vmem>>) semaphore(%arg12 : memref<!tpu.dma_semaphore, #tpu.memory_space<semaphore_mem>>)
    %dma_start3A_87 = arith.constant 5 : i32
    %dma_start3A_88 = arith.constant 128 : i32
    %dma_start3A_89 = arith.constant 0 : i32
    %dma_start3A_90 = tpu.memref_slice %arg8[%dma_start3A_88, %dma_start3A_89] : memref<256x64xf32, #tpu.memory_space<vmem>> -> memref<128x64xf32, #tpu.memory_space<vmem>>
    %dma_start3A_91 = arith.constant 0 : i32
    %dma_start3A_92 = tpu.memref_slice %arg5[%dma_start3A_87, %dma_start3A_91] : memref<400x128xi32, #tpu.memory_space<vmem>> -> memref<1x128xi32, #tpu.memory_space<vmem>>
    %dma_start3A_93 = tpu.memref_squeeze %dma_start3A_92 : memref<1x128xi32, #tpu.memory_space<vmem>> -> memref<128xi32, #tpu.memory_space<vmem>>
    %dma_start3A_94 = arith.constant 0 : i32
    %dma_start3A_95 = arith.constant 0 : i32
    %dma_start3A_96 = tpu.memref_slice %arg2[%dma_start3A_94, %dma_start3A_95] : memref<1000000x64xf32, #tpu.memory_space<hbm>> -> memref<1000000x64xf32, #tpu.memory_space<hbm>>
    tpu.enqueue_indirect_dma source(%dma_start3A_96 : memref<1000000x64xf32, #tpu.memory_space<hbm>>) target(%dma_start3A_90 : memref<128x64xf32, #tpu.memory_space<vmem>>) offsets(%dma_start3A_93 : memref<128xi32, #tpu.memory_space<vmem>>) semaphore(%arg12 : memref<!tpu.dma_semaphore, #tpu.memory_space<semaphore_mem>>)
    %dma_start3A_97 = arith.constant 6 : i32
    %dma_start3A_98 = arith.constant 0 : i32
    %dma_start3A_99 = arith.constant 0 : i32
    %dma_start3A_100 = tpu.memref_slice %arg9[%dma_start3A_98, %dma_start3A_99] : memref<256x64xf32, #tpu.memory_space<vmem>> -> memref<128x64xf32, #tpu.memory_space<vmem>>
    %dma_start3A_101 = arith.constant 0 : i32
    %dma_start3A_102 = tpu.memref_slice %arg5[%dma_start3A_97, %dma_start3A_101] : memref<400x128xi32, #tpu.memory_space<vmem>> -> memref<1x128xi32, #tpu.memory_space<vmem>>
    %dma_start3A_103 = tpu.memref_squeeze %dma_start3A_102 : memref<1x128xi32, #tpu.memory_space<vmem>> -> memref<128xi32, #tpu.memory_space<vmem>>
    %dma_start3A_104 = arith.constant 0 : i32
    %dma_start3A_105 = arith.constant 0 : i32
    %dma_start3A_106 = tpu.memref_slice %arg2[%dma_start3A_104, %dma_start3A_105] : memref<1000000x64xf32, #tpu.memory_space<hbm>> -> memref<1000000x64xf32, #tpu.memory_space<hbm>>
    tpu.enqueue_indirect_dma source(%dma_start3A_106 : memref<1000000x64xf32, #tpu.memory_space<hbm>>) target(%dma_start3A_100 : memref<128x64xf32, #tpu.memory_space<vmem>>) offsets(%dma_start3A_103 : memref<128xi32, #tpu.memory_space<vmem>>) semaphore(%arg13 : memref<!tpu.dma_semaphore, #tpu.memory_space<semaphore_mem>>)
    %dma_start3A_107 = arith.constant 7 : i32
    %dma_start3A_108 = arith.constant 128 : i32
    %dma_start3A_109 = arith.constant 0 : i32
    %dma_start3A_110 = tpu.memref_slice %arg9[%dma_start3A_108, %dma_start3A_109] : memref<256x64xf32, #tpu.memory_space<vmem>> -> memref<128x64xf32, #tpu.memory_space<vmem>>
    %dma_start3A_111 = arith.constant 0 : i32
    %dma_start3A_112 = tpu.memref_slice %arg5[%dma_start3A_107, %dma_start3A_111] : memref<400x128xi32, #tpu.memory_space<vmem>> -> memref<1x128xi32, #tpu.memory_space<vmem>>
    %dma_start3A_113 = tpu.memref_squeeze %dma_start3A_112 : memref<1x128xi32, #tpu.memory_space<vmem>> -> memref<128xi32, #tpu.memory_space<vmem>>
    %dma_start3A_114 = arith.constant 0 : i32
    %dma_start3A_115 = arith.constant 0 : i32
    %dma_start3A_116 = tpu.memref_slice %arg2[%dma_start3A_114, %dma_start3A_115] : memref<1000000x64xf32, #tpu.memory_space<hbm>> -> memref<1000000x64xf32, #tpu.memory_space<hbm>>
    tpu.enqueue_indirect_dma source(%dma_start3A_116 : memref<1000000x64xf32, #tpu.memory_space<hbm>>) target(%dma_start3A_110 : memref<128x64xf32, #tpu.memory_space<vmem>>) offsets(%dma_start3A_113 : memref<128xi32, #tpu.memory_space<vmem>>) semaphore(%arg13 : memref<!tpu.dma_semaphore, #tpu.memory_space<semaphore_mem>>)
    %scan3A = arith.constant 0 : i32
    %scan3A_117 = arith.constant 0 : i32
    %scan3A_118 = arith.constant 24 : i32
    %scan3A_119 = arith.addi %scan3A_117, %scan3A_118 : i32
    %scan3A_120 = arith.constant 1 : i32
    scf.for %scan3A_364 = %scan3A_117 to %scan3A_119 step %scan3A_120  : i32 {
      %mul3A_365 = arith.constant 4 : i32
      %mul3A_366 = arith.muli %mul3A_365, %scan3A_364 : i32
      %dma_wait3A_367 = arith.constant 0 : i32
      %dma_wait3A_368 = arith.constant 0 : i32
      %dma_wait3A_369 = tpu.memref_slice %arg4[%dma_wait3A_367, %dma_wait3A_368] : memref<1638400x64xf32, #tpu.memory_space<hbm>> -> memref<256x64xf32, #tpu.memory_space<hbm>>
      %dma_wait3A_370 = arith.constant 0 : i32
      %dma_wait3A_371 = arith.constant 0 : i32
      %dma_wait3A_372 = tpu.memref_slice %arg4[%dma_wait3A_370, %dma_wait3A_371] : memref<1638400x64xf32, #tpu.memory_space<hbm>> -> memref<256x64xf32, #tpu.memory_space<hbm>>
      tpu.wait_dma2 semaphore(%arg10 : memref<!tpu.dma_semaphore, #tpu.memory_space<semaphore_mem>>) src(%dma_wait3A_372 : memref<256x64xf32, #tpu.memory_space<hbm>>) dst(%arg6 : memref<256x64xf32, #tpu.memory_space<vmem>>)
      %add3A_373 = arith.constant 0 : i32
      %add3A_374 = arith.addi %mul3A_366, %add3A_373 : i32
      %mul3A_375 = arith.constant 256 : i32
      %mul3A_376 = arith.muli %add3A_374, %mul3A_375 : i32
      %add3A_377 = arith.addi %mul3A_2, %mul3A_376 : i32
      %dma_start3A_378 = arith.constant 0 : i32
      %dma_start3A_379 = tpu.memref_slice %arg4[%add3A_377, %dma_start3A_378] : memref<1638400x64xf32, #tpu.memory_space<hbm>> -> memref<256x64xf32, #tpu.memory_space<hbm>>
      %dma_start3A_380 = arith.constant 0 : i32
      %dma_start3A_381 = tpu.memref_slice %arg4[%add3A_377, %dma_start3A_380] : memref<1638400x64xf32, #tpu.memory_space<hbm>> -> memref<256x64xf32, #tpu.memory_space<hbm>>
      tpu.enqueue_dma source(%arg6 : memref<256x64xf32, #tpu.memory_space<vmem>>) target(%dma_start3A_381 : memref<256x64xf32, #tpu.memory_space<hbm>>) target_semaphore(%arg14 : memref<!tpu.dma_semaphore, #tpu.memory_space<semaphore_mem>>)
      %dma_wait3A_382 = arith.constant 0 : i32
      %dma_wait3A_383 = arith.constant 0 : i32
      %dma_wait3A_384 = tpu.memref_slice %arg4[%dma_wait3A_382, %dma_wait3A_383] : memref<1638400x64xf32, #tpu.memory_space<hbm>> -> memref<256x64xf32, #tpu.memory_space<hbm>>
      %dma_wait3A_385 = arith.constant 0 : i32
      %dma_wait3A_386 = arith.constant 0 : i32
      %dma_wait3A_387 = tpu.memref_slice %arg4[%dma_wait3A_385, %dma_wait3A_386] : memref<1638400x64xf32, #tpu.memory_space<hbm>> -> memref<256x64xf32, #tpu.memory_space<hbm>>
      tpu.wait_dma2 semaphore(%arg11 : memref<!tpu.dma_semaphore, #tpu.memory_space<semaphore_mem>>) src(%dma_wait3A_387 : memref<256x64xf32, #tpu.memory_space<hbm>>) dst(%arg7 : memref<256x64xf32, #tpu.memory_space<vmem>>)
      %add3A_388 = arith.constant 1 : i32
      %add3A_389 = arith.addi %mul3A_366, %add3A_388 : i32
      %mul3A_390 = arith.constant 256 : i32
      %mul3A_391 = arith.muli %add3A_389, %mul3A_390 : i32
      %add3A_392 = arith.addi %mul3A_2, %mul3A_391 : i32
      %dma_start3A_393 = arith.constant 0 : i32
      %dma_start3A_394 = tpu.memref_slice %arg4[%add3A_392, %dma_start3A_393] : memref<1638400x64xf32, #tpu.memory_space<hbm>> -> memref<256x64xf32, #tpu.memory_space<hbm>>
      %dma_start3A_395 = arith.constant 0 : i32
      %dma_start3A_396 = tpu.memref_slice %arg4[%add3A_392, %dma_start3A_395] : memref<1638400x64xf32, #tpu.memory_space<hbm>> -> memref<256x64xf32, #tpu.memory_space<hbm>>
      tpu.enqueue_dma source(%arg7 : memref<256x64xf32, #tpu.memory_space<vmem>>) target(%dma_start3A_396 : memref<256x64xf32, #tpu.memory_space<hbm>>) target_semaphore(%arg15 : memref<!tpu.dma_semaphore, #tpu.memory_space<semaphore_mem>>)
      %dma_wait3A_397 = arith.constant 0 : i32
      %dma_wait3A_398 = arith.constant 0 : i32
      %dma_wait3A_399 = tpu.memref_slice %arg4[%dma_wait3A_397, %dma_wait3A_398] : memref<1638400x64xf32, #tpu.memory_space<hbm>> -> memref<256x64xf32, #tpu.memory_space<hbm>>
      %dma_wait3A_400 = arith.constant 0 : i32
      %dma_wait3A_401 = arith.constant 0 : i32
      %dma_wait3A_402 = tpu.memref_slice %arg4[%dma_wait3A_400, %dma_wait3A_401] : memref<1638400x64xf32, #tpu.memory_space<hbm>> -> memref<256x64xf32, #tpu.memory_space<hbm>>
      tpu.wait_dma2 semaphore(%arg12 : memref<!tpu.dma_semaphore, #tpu.memory_space<semaphore_mem>>) src(%dma_wait3A_402 : memref<256x64xf32, #tpu.memory_space<hbm>>) dst(%arg8 : memref<256x64xf32, #tpu.memory_space<vmem>>)
      %add3A_403 = arith.constant 2 : i32
      %add3A_404 = arith.addi %mul3A_366, %add3A_403 : i32
      %mul3A_405 = arith.constant 256 : i32
      %mul3A_406 = arith.muli %add3A_404, %mul3A_405 : i32
      %add3A_407 = arith.addi %mul3A_2, %mul3A_406 : i32
      %dma_start3A_408 = arith.constant 0 : i32
      %dma_start3A_409 = tpu.memref_slice %arg4[%add3A_407, %dma_start3A_408] : memref<1638400x64xf32, #tpu.memory_space<hbm>> -> memref<256x64xf32, #tpu.memory_space<hbm>>
      %dma_start3A_410 = arith.constant 0 : i32
      %dma_start3A_411 = tpu.memref_slice %arg4[%add3A_407, %dma_start3A_410] : memref<1638400x64xf32, #tpu.memory_space<hbm>> -> memref<256x64xf32, #tpu.memory_space<hbm>>
      tpu.enqueue_dma source(%arg8 : memref<256x64xf32, #tpu.memory_space<vmem>>) target(%dma_start3A_411 : memref<256x64xf32, #tpu.memory_space<hbm>>) target_semaphore(%arg16 : memref<!tpu.dma_semaphore, #tpu.memory_space<semaphore_mem>>)
      %dma_wait3A_412 = arith.constant 0 : i32
      %dma_wait3A_413 = arith.constant 0 : i32
      %dma_wait3A_414 = tpu.memref_slice %arg4[%dma_wait3A_412, %dma_wait3A_413] : memref<1638400x64xf32, #tpu.memory_space<hbm>> -> memref<256x64xf32, #tpu.memory_space<hbm>>
      %dma_wait3A_415 = arith.constant 0 : i32
      %dma_wait3A_416 = arith.constant 0 : i32
      %dma_wait3A_417 = tpu.memref_slice %arg4[%dma_wait3A_415, %dma_wait3A_416] : memref<1638400x64xf32, #tpu.memory_space<hbm>> -> memref<256x64xf32, #tpu.memory_space<hbm>>
      tpu.wait_dma2 semaphore(%arg13 : memref<!tpu.dma_semaphore, #tpu.memory_space<semaphore_mem>>) src(%dma_wait3A_417 : memref<256x64xf32, #tpu.memory_space<hbm>>) dst(%arg9 : memref<256x64xf32, #tpu.memory_space<vmem>>)
      %add3A_418 = arith.constant 3 : i32
      %add3A_419 = arith.addi %mul3A_366, %add3A_418 : i32
      %mul3A_420 = arith.constant 256 : i32
      %mul3A_421 = arith.muli %add3A_419, %mul3A_420 : i32
      %add3A_422 = arith.addi %mul3A_2, %mul3A_421 : i32
      %dma_start3A_423 = arith.constant 0 : i32
      %dma_start3A_424 = tpu.memref_slice %arg4[%add3A_422, %dma_start3A_423] : memref<1638400x64xf32, #tpu.memory_space<hbm>> -> memref<256x64xf32, #tpu.memory_space<hbm>>
      %dma_start3A_425 = arith.constant 0 : i32
      %dma_start3A_426 = tpu.memref_slice %arg4[%add3A_422, %dma_start3A_425] : memref<1638400x64xf32, #tpu.memory_space<hbm>> -> memref<256x64xf32, #tpu.memory_space<hbm>>
      tpu.enqueue_dma source(%arg9 : memref<256x64xf32, #tpu.memory_space<vmem>>) target(%dma_start3A_426 : memref<256x64xf32, #tpu.memory_space<hbm>>) target_semaphore(%arg17 : memref<!tpu.dma_semaphore, #tpu.memory_space<semaphore_mem>>)
      %dma_wait3A_427 = arith.constant 0 : i32
      %dma_wait3A_428 = arith.constant 0 : i32
      %dma_wait3A_429 = tpu.memref_slice %arg4[%dma_wait3A_427, %dma_wait3A_428] : memref<1638400x64xf32, #tpu.memory_space<hbm>> -> memref<256x64xf32, #tpu.memory_space<hbm>>
      %dma_wait3A_430 = arith.constant 0 : i32
      %dma_wait3A_431 = arith.constant 0 : i32
      %dma_wait3A_432 = tpu.memref_slice %arg4[%dma_wait3A_430, %dma_wait3A_431] : memref<1638400x64xf32, #tpu.memory_space<hbm>> -> memref<256x64xf32, #tpu.memory_space<hbm>>
      tpu.wait_dma2 semaphore(%arg14 : memref<!tpu.dma_semaphore, #tpu.memory_space<semaphore_mem>>) src(%arg6 : memref<256x64xf32, #tpu.memory_space<vmem>>) dst(%dma_wait3A_432 : memref<256x64xf32, #tpu.memory_space<hbm>>)
      %add3A_433 = arith.constant 0 : i32
      %add3A_434 = arith.addi %mul3A_366, %add3A_433 : i32
      %add3A_435 = arith.constant 4 : i32
      %add3A_436 = arith.addi %add3A_434, %add3A_435 : i32
      %mul3A_437 = arith.constant 2 : i32
      %mul3A_438 = arith.muli %add3A_436, %mul3A_437 : i32
      %add3A_439 = arith.constant 0 : i32
      %add3A_440 = arith.addi %mul3A_438, %add3A_439 : i32
      %dma_start3A_441 = arith.constant 0 : i32
      %dma_start3A_442 = arith.constant 0 : i32
      %dma_start3A_443 = tpu.memref_slice %arg6[%dma_start3A_441, %dma_start3A_442] : memref<256x64xf32, #tpu.memory_space<vmem>> -> memref<128x64xf32, #tpu.memory_space<vmem>>
      %dma_start3A_444 = arith.constant 0 : i32
      %dma_start3A_445 = tpu.memref_slice %arg5[%add3A_440, %dma_start3A_444] : memref<400x128xi32, #tpu.memory_space<vmem>> -> memref<1x128xi32, #tpu.memory_space<vmem>>
      %dma_start3A_446 = tpu.memref_squeeze %dma_start3A_445 : memref<1x128xi32, #tpu.memory_space<vmem>> -> memref<128xi32, #tpu.memory_space<vmem>>
      %dma_start3A_447 = arith.constant 0 : i32
      %dma_start3A_448 = arith.constant 0 : i32
      %dma_start3A_449 = tpu.memref_slice %arg2[%dma_start3A_447, %dma_start3A_448] : memref<1000000x64xf32, #tpu.memory_space<hbm>> -> memref<1000000x64xf32, #tpu.memory_space<hbm>>
      tpu.enqueue_indirect_dma source(%dma_start3A_449 : memref<1000000x64xf32, #tpu.memory_space<hbm>>) target(%dma_start3A_443 : memref<128x64xf32, #tpu.memory_space<vmem>>) offsets(%dma_start3A_446 : memref<128xi32, #tpu.memory_space<vmem>>) semaphore(%arg10 : memref<!tpu.dma_semaphore, #tpu.memory_space<semaphore_mem>>)
      %mul3A_450 = arith.constant 2 : i32
      %mul3A_451 = arith.muli %add3A_436, %mul3A_450 : i32
      %add3A_452 = arith.constant 1 : i32
      %add3A_453 = arith.addi %mul3A_451, %add3A_452 : i32
      %dma_start3A_454 = arith.constant 128 : i32
      %dma_start3A_455 = arith.constant 0 : i32
      %dma_start3A_456 = tpu.memref_slice %arg6[%dma_start3A_454, %dma_start3A_455] : memref<256x64xf32, #tpu.memory_space<vmem>> -> memref<128x64xf32, #tpu.memory_space<vmem>>
      %dma_start3A_457 = arith.constant 0 : i32
      %dma_start3A_458 = tpu.memref_slice %arg5[%add3A_453, %dma_start3A_457] : memref<400x128xi32, #tpu.memory_space<vmem>> -> memref<1x128xi32, #tpu.memory_space<vmem>>
      %dma_start3A_459 = tpu.memref_squeeze %dma_start3A_458 : memref<1x128xi32, #tpu.memory_space<vmem>> -> memref<128xi32, #tpu.memory_space<vmem>>
      %dma_start3A_460 = arith.constant 0 : i32
      %dma_start3A_461 = arith.constant 0 : i32
      %dma_start3A_462 = tpu.memref_slice %arg2[%dma_start3A_460, %dma_start3A_461] : memref<1000000x64xf32, #tpu.memory_space<hbm>> -> memref<1000000x64xf32, #tpu.memory_space<hbm>>
      tpu.enqueue_indirect_dma source(%dma_start3A_462 : memref<1000000x64xf32, #tpu.memory_space<hbm>>) target(%dma_start3A_456 : memref<128x64xf32, #tpu.memory_space<vmem>>) offsets(%dma_start3A_459 : memref<128xi32, #tpu.memory_space<vmem>>) semaphore(%arg10 : memref<!tpu.dma_semaphore, #tpu.memory_space<semaphore_mem>>)
      %dma_wait3A_463 = arith.constant 0 : i32
      %dma_wait3A_464 = arith.constant 0 : i32
      %dma_wait3A_465 = tpu.memref_slice %arg4[%dma_wait3A_463, %dma_wait3A_464] : memref<1638400x64xf32, #tpu.memory_space<hbm>> -> memref<256x64xf32, #tpu.memory_space<hbm>>
      %dma_wait3A_466 = arith.constant 0 : i32
      %dma_wait3A_467 = arith.constant 0 : i32
      %dma_wait3A_468 = tpu.memref_slice %arg4[%dma_wait3A_466, %dma_wait3A_467] : memref<1638400x64xf32, #tpu.memory_space<hbm>> -> memref<256x64xf32, #tpu.memory_space<hbm>>
      tpu.wait_dma2 semaphore(%arg15 : memref<!tpu.dma_semaphore, #tpu.memory_space<semaphore_mem>>) src(%arg7 : memref<256x64xf32, #tpu.memory_space<vmem>>) dst(%dma_wait3A_468 : memref<256x64xf32, #tpu.memory_space<hbm>>)
      %add3A_469 = arith.constant 1 : i32
      %add3A_470 = arith.addi %mul3A_366, %add3A_469 : i32
      %add3A_471 = arith.constant 4 : i32
      %add3A_472 = arith.addi %add3A_470, %add3A_471 : i32
      %mul3A_473 = arith.constant 2 : i32
      %mul3A_474 = arith.muli %add3A_472, %mul3A_473 : i32
      %add3A_475 = arith.constant 0 : i32
      %add3A_476 = arith.addi %mul3A_474, %add3A_475 : i32
      %dma_start3A_477 = arith.constant 0 : i32
      %dma_start3A_478 = arith.constant 0 : i32
      %dma_start3A_479 = tpu.memref_slice %arg7[%dma_start3A_477, %dma_start3A_478] : memref<256x64xf32, #tpu.memory_space<vmem>> -> memref<128x64xf32, #tpu.memory_space<vmem>>
      %dma_start3A_480 = arith.constant 0 : i32
      %dma_start3A_481 = tpu.memref_slice %arg5[%add3A_476, %dma_start3A_480] : memref<400x128xi32, #tpu.memory_space<vmem>> -> memref<1x128xi32, #tpu.memory_space<vmem>>
      %dma_start3A_482 = tpu.memref_squeeze %dma_start3A_481 : memref<1x128xi32, #tpu.memory_space<vmem>> -> memref<128xi32, #tpu.memory_space<vmem>>
      %dma_start3A_483 = arith.constant 0 : i32
      %dma_start3A_484 = arith.constant 0 : i32
      %dma_start3A_485 = tpu.memref_slice %arg2[%dma_start3A_483, %dma_start3A_484] : memref<1000000x64xf32, #tpu.memory_space<hbm>> -> memref<1000000x64xf32, #tpu.memory_space<hbm>>
      tpu.enqueue_indirect_dma source(%dma_start3A_485 : memref<1000000x64xf32, #tpu.memory_space<hbm>>) target(%dma_start3A_479 : memref<128x64xf32, #tpu.memory_space<vmem>>) offsets(%dma_start3A_482 : memref<128xi32, #tpu.memory_space<vmem>>) semaphore(%arg11 : memref<!tpu.dma_semaphore, #tpu.memory_space<semaphore_mem>>)
      %mul3A_486 = arith.constant 2 : i32
      %mul3A_487 = arith.muli %add3A_472, %mul3A_486 : i32
      %add3A_488 = arith.constant 1 : i32
      %add3A_489 = arith.addi %mul3A_487, %add3A_488 : i32
      %dma_start3A_490 = arith.constant 128 : i32
      %dma_start3A_491 = arith.constant 0 : i32
      %dma_start3A_492 = tpu.memref_slice %arg7[%dma_start3A_490, %dma_start3A_491] : memref<256x64xf32, #tpu.memory_space<vmem>> -> memref<128x64xf32, #tpu.memory_space<vmem>>
      %dma_start3A_493 = arith.constant 0 : i32
      %dma_start3A_494 = tpu.memref_slice %arg5[%add3A_489, %dma_start3A_493] : memref<400x128xi32, #tpu.memory_space<vmem>> -> memref<1x128xi32, #tpu.memory_space<vmem>>
      %dma_start3A_495 = tpu.memref_squeeze %dma_start3A_494 : memref<1x128xi32, #tpu.memory_space<vmem>> -> memref<128xi32, #tpu.memory_space<vmem>>
      %dma_start3A_496 = arith.constant 0 : i32
      %dma_start3A_497 = arith.constant 0 : i32
      %dma_start3A_498 = tpu.memref_slice %arg2[%dma_start3A_496, %dma_start3A_497] : memref<1000000x64xf32, #tpu.memory_space<hbm>> -> memref<1000000x64xf32, #tpu.memory_space<hbm>>
      tpu.enqueue_indirect_dma source(%dma_start3A_498 : memref<1000000x64xf32, #tpu.memory_space<hbm>>) target(%dma_start3A_492 : memref<128x64xf32, #tpu.memory_space<vmem>>) offsets(%dma_start3A_495 : memref<128xi32, #tpu.memory_space<vmem>>) semaphore(%arg11 : memref<!tpu.dma_semaphore, #tpu.memory_space<semaphore_mem>>)
      %dma_wait3A_499 = arith.constant 0 : i32
      %dma_wait3A_500 = arith.constant 0 : i32
      %dma_wait3A_501 = tpu.memref_slice %arg4[%dma_wait3A_499, %dma_wait3A_500] : memref<1638400x64xf32, #tpu.memory_space<hbm>> -> memref<256x64xf32, #tpu.memory_space<hbm>>
      %dma_wait3A_502 = arith.constant 0 : i32
      %dma_wait3A_503 = arith.constant 0 : i32
      %dma_wait3A_504 = tpu.memref_slice %arg4[%dma_wait3A_502, %dma_wait3A_503] : memref<1638400x64xf32, #tpu.memory_space<hbm>> -> memref<256x64xf32, #tpu.memory_space<hbm>>
      tpu.wait_dma2 semaphore(%arg16 : memref<!tpu.dma_semaphore, #tpu.memory_space<semaphore_mem>>) src(%arg8 : memref<256x64xf32, #tpu.memory_space<vmem>>) dst(%dma_wait3A_504 : memref<256x64xf32, #tpu.memory_space<hbm>>)
      %add3A_505 = arith.constant 2 : i32
      %add3A_506 = arith.addi %mul3A_366, %add3A_505 : i32
      %add3A_507 = arith.constant 4 : i32
      %add3A_508 = arith.addi %add3A_506, %add3A_507 : i32
      %mul3A_509 = arith.constant 2 : i32
      %mul3A_510 = arith.muli %add3A_508, %mul3A_509 : i32
      %add3A_511 = arith.constant 0 : i32
      %add3A_512 = arith.addi %mul3A_510, %add3A_511 : i32
      %dma_start3A_513 = arith.constant 0 : i32
      %dma_start3A_514 = arith.constant 0 : i32
      %dma_start3A_515 = tpu.memref_slice %arg8[%dma_start3A_513, %dma_start3A_514] : memref<256x64xf32, #tpu.memory_space<vmem>> -> memref<128x64xf32, #tpu.memory_space<vmem>>
      %dma_start3A_516 = arith.constant 0 : i32
      %dma_start3A_517 = tpu.memref_slice %arg5[%add3A_512, %dma_start3A_516] : memref<400x128xi32, #tpu.memory_space<vmem>> -> memref<1x128xi32, #tpu.memory_space<vmem>>
      %dma_start3A_518 = tpu.memref_squeeze %dma_start3A_517 : memref<1x128xi32, #tpu.memory_space<vmem>> -> memref<128xi32, #tpu.memory_space<vmem>>
      %dma_start3A_519 = arith.constant 0 : i32
      %dma_start3A_520 = arith.constant 0 : i32
      %dma_start3A_521 = tpu.memref_slice %arg2[%dma_start3A_519, %dma_start3A_520] : memref<1000000x64xf32, #tpu.memory_space<hbm>> -> memref<1000000x64xf32, #tpu.memory_space<hbm>>
      tpu.enqueue_indirect_dma source(%dma_start3A_521 : memref<1000000x64xf32, #tpu.memory_space<hbm>>) target(%dma_start3A_515 : memref<128x64xf32, #tpu.memory_space<vmem>>) offsets(%dma_start3A_518 : memref<128xi32, #tpu.memory_space<vmem>>) semaphore(%arg12 : memref<!tpu.dma_semaphore, #tpu.memory_space<semaphore_mem>>)
      %mul3A_522 = arith.constant 2 : i32
      %mul3A_523 = arith.muli %add3A_508, %mul3A_522 : i32
      %add3A_524 = arith.constant 1 : i32
      %add3A_525 = arith.addi %mul3A_523, %add3A_524 : i32
      %dma_start3A_526 = arith.constant 128 : i32
      %dma_start3A_527 = arith.constant 0 : i32
      %dma_start3A_528 = tpu.memref_slice %arg8[%dma_start3A_526, %dma_start3A_527] : memref<256x64xf32, #tpu.memory_space<vmem>> -> memref<128x64xf32, #tpu.memory_space<vmem>>
      %dma_start3A_529 = arith.constant 0 : i32
      %dma_start3A_530 = tpu.memref_slice %arg5[%add3A_525, %dma_start3A_529] : memref<400x128xi32, #tpu.memory_space<vmem>> -> memref<1x128xi32, #tpu.memory_space<vmem>>
      %dma_start3A_531 = tpu.memref_squeeze %dma_start3A_530 : memref<1x128xi32, #tpu.memory_space<vmem>> -> memref<128xi32, #tpu.memory_space<vmem>>
      %dma_start3A_532 = arith.constant 0 : i32
      %dma_start3A_533 = arith.constant 0 : i32
      %dma_start3A_534 = tpu.memref_slice %arg2[%dma_start3A_532, %dma_start3A_533] : memref<1000000x64xf32, #tpu.memory_space<hbm>> -> memref<1000000x64xf32, #tpu.memory_space<hbm>>
      tpu.enqueue_indirect_dma source(%dma_start3A_534 : memref<1000000x64xf32, #tpu.memory_space<hbm>>) target(%dma_start3A_528 : memref<128x64xf32, #tpu.memory_space<vmem>>) offsets(%dma_start3A_531 : memref<128xi32, #tpu.memory_space<vmem>>) semaphore(%arg12 : memref<!tpu.dma_semaphore, #tpu.memory_space<semaphore_mem>>)
      %dma_wait3A_535 = arith.constant 0 : i32
      %dma_wait3A_536 = arith.constant 0 : i32
      %dma_wait3A_537 = tpu.memref_slice %arg4[%dma_wait3A_535, %dma_wait3A_536] : memref<1638400x64xf32, #tpu.memory_space<hbm>> -> memref<256x64xf32, #tpu.memory_space<hbm>>
      %dma_wait3A_538 = arith.constant 0 : i32
      %dma_wait3A_539 = arith.constant 0 : i32
      %dma_wait3A_540 = tpu.memref_slice %arg4[%dma_wait3A_538, %dma_wait3A_539] : memref<1638400x64xf32, #tpu.memory_space<hbm>> -> memref<256x64xf32, #tpu.memory_space<hbm>>
      tpu.wait_dma2 semaphore(%arg17 : memref<!tpu.dma_semaphore, #tpu.memory_space<semaphore_mem>>) src(%arg9 : memref<256x64xf32, #tpu.memory_space<vmem>>) dst(%dma_wait3A_540 : memref<256x64xf32, #tpu.memory_space<hbm>>)
      %add3A_541 = arith.constant 3 : i32
      %add3A_542 = arith.addi %mul3A_366, %add3A_541 : i32
      %add3A_543 = arith.constant 4 : i32
      %add3A_544 = arith.addi %add3A_542, %add3A_543 : i32
      %mul3A_545 = arith.constant 2 : i32
      %mul3A_546 = arith.muli %add3A_544, %mul3A_545 : i32
      %add3A_547 = arith.constant 0 : i32
      %add3A_548 = arith.addi %mul3A_546, %add3A_547 : i32
      %dma_start3A_549 = arith.constant 0 : i32
      %dma_start3A_550 = arith.constant 0 : i32
      %dma_start3A_551 = tpu.memref_slice %arg9[%dma_start3A_549, %dma_start3A_550] : memref<256x64xf32, #tpu.memory_space<vmem>> -> memref<128x64xf32, #tpu.memory_space<vmem>>
      %dma_start3A_552 = arith.constant 0 : i32
      %dma_start3A_553 = tpu.memref_slice %arg5[%add3A_548, %dma_start3A_552] : memref<400x128xi32, #tpu.memory_space<vmem>> -> memref<1x128xi32, #tpu.memory_space<vmem>>
      %dma_start3A_554 = tpu.memref_squeeze %dma_start3A_553 : memref<1x128xi32, #tpu.memory_space<vmem>> -> memref<128xi32, #tpu.memory_space<vmem>>
      %dma_start3A_555 = arith.constant 0 : i32
      %dma_start3A_556 = arith.constant 0 : i32
      %dma_start3A_557 = tpu.memref_slice %arg2[%dma_start3A_555, %dma_start3A_556] : memref<1000000x64xf32, #tpu.memory_space<hbm>> -> memref<1000000x64xf32, #tpu.memory_space<hbm>>
      tpu.enqueue_indirect_dma source(%dma_start3A_557 : memref<1000000x64xf32, #tpu.memory_space<hbm>>) target(%dma_start3A_551 : memref<128x64xf32, #tpu.memory_space<vmem>>) offsets(%dma_start3A_554 : memref<128xi32, #tpu.memory_space<vmem>>) semaphore(%arg13 : memref<!tpu.dma_semaphore, #tpu.memory_space<semaphore_mem>>)
      %mul3A_558 = arith.constant 2 : i32
      %mul3A_559 = arith.muli %add3A_544, %mul3A_558 : i32
      %add3A_560 = arith.constant 1 : i32
      %add3A_561 = arith.addi %mul3A_559, %add3A_560 : i32
      %dma_start3A_562 = arith.constant 128 : i32
      %dma_start3A_563 = arith.constant 0 : i32
      %dma_start3A_564 = tpu.memref_slice %arg9[%dma_start3A_562, %dma_start3A_563] : memref<256x64xf32, #tpu.memory_space<vmem>> -> memref<128x64xf32, #tpu.memory_space<vmem>>
      %dma_start3A_565 = arith.constant 0 : i32
      %dma_start3A_566 = tpu.memref_slice %arg5[%add3A_561, %dma_start3A_565] : memref<400x128xi32, #tpu.memory_space<vmem>> -> memref<1x128xi32, #tpu.memory_space<vmem>>
      %dma_start3A_567 = tpu.memref_squeeze %dma_start3A_566 : memref<1x128xi32, #tpu.memory_space<vmem>> -> memref<128xi32, #tpu.memory_space<vmem>>
      %dma_start3A_568 = arith.constant 0 : i32
      %dma_start3A_569 = arith.constant 0 : i32
      %dma_start3A_570 = tpu.memref_slice %arg2[%dma_start3A_568, %dma_start3A_569] : memref<1000000x64xf32, #tpu.memory_space<hbm>> -> memref<1000000x64xf32, #tpu.memory_space<hbm>>
      tpu.enqueue_indirect_dma source(%dma_start3A_570 : memref<1000000x64xf32, #tpu.memory_space<hbm>>) target(%dma_start3A_564 : memref<128x64xf32, #tpu.memory_space<vmem>>) offsets(%dma_start3A_567 : memref<128xi32, #tpu.memory_space<vmem>>) semaphore(%arg13 : memref<!tpu.dma_semaphore, #tpu.memory_space<semaphore_mem>>)
    }
    %scan3A_121 = arith.constant 24 : i32
    %dma_wait3A_122 = arith.constant 0 : i32
    %dma_wait3A_123 = arith.constant 0 : i32
    %dma_wait3A_124 = tpu.memref_slice %arg5[%dma_wait3A_122, %dma_wait3A_123] : memref<400x128xi32, #tpu.memory_space<vmem>> -> memref<200x128xi32, #tpu.memory_space<vmem>>
    %dma_wait3A_125 = arith.constant 0 : i32
    %dma_wait3A_126 = arith.constant 0 : i32
    %dma_wait3A_127 = tpu.memref_slice %arg3[%dma_wait3A_125, %dma_wait3A_126] : memref<12800x128xi32, #tpu.memory_space<hbm>> -> memref<200x128xi32, #tpu.memory_space<hbm>>
    %dma_wait3A_128 = arith.constant 0 : i32
    %dma_wait3A_129 = arith.constant 0 : i32
    %dma_wait3A_130 = tpu.memref_slice %arg5[%dma_wait3A_128, %dma_wait3A_129] : memref<400x128xi32, #tpu.memory_space<vmem>> -> memref<200x128xi32, #tpu.memory_space<vmem>>
    %dma_wait3A_131 = arith.constant 0 : i32
    %dma_wait3A_132 = arith.constant 0 : i32
    %dma_wait3A_133 = tpu.memref_slice %arg3[%dma_wait3A_131, %dma_wait3A_132] : memref<12800x128xi32, #tpu.memory_space<hbm>> -> memref<200x128xi32, #tpu.memory_space<hbm>>
    tpu.wait_dma2 semaphore(%arg19 : memref<!tpu.dma_semaphore, #tpu.memory_space<semaphore_mem>>) src(%dma_wait3A_133 : memref<200x128xi32, #tpu.memory_space<hbm>>) dst(%dma_wait3A_130 : memref<200x128xi32, #tpu.memory_space<vmem>>)
    %dma_wait3A_134 = arith.constant 0 : i32
    %dma_wait3A_135 = arith.constant 0 : i32
    %dma_wait3A_136 = tpu.memref_slice %arg4[%dma_wait3A_134, %dma_wait3A_135] : memref<1638400x64xf32, #tpu.memory_space<hbm>> -> memref<256x64xf32, #tpu.memory_space<hbm>>
    %dma_wait3A_137 = arith.constant 0 : i32
    %dma_wait3A_138 = arith.constant 0 : i32
    %dma_wait3A_139 = tpu.memref_slice %arg4[%dma_wait3A_137, %dma_wait3A_138] : memref<1638400x64xf32, #tpu.memory_space<hbm>> -> memref<256x64xf32, #tpu.memory_space<hbm>>
    tpu.wait_dma2 semaphore(%arg10 : memref<!tpu.dma_semaphore, #tpu.memory_space<semaphore_mem>>) src(%dma_wait3A_139 : memref<256x64xf32, #tpu.memory_space<hbm>>) dst(%arg6 : memref<256x64xf32, #tpu.memory_space<vmem>>)
    %add3A_140 = arith.constant 24576 : i32
    %add3A_141 = arith.addi %mul3A_2, %add3A_140 : i32
    %dma_start3A_142 = arith.constant 0 : i32
    %dma_start3A_143 = tpu.memref_slice %arg4[%add3A_141, %dma_start3A_142] : memref<1638400x64xf32, #tpu.memory_space<hbm>> -> memref<256x64xf32, #tpu.memory_space<hbm>>
    %dma_start3A_144 = arith.constant 0 : i32
    %dma_start3A_145 = tpu.memref_slice %arg4[%add3A_141, %dma_start3A_144] : memref<1638400x64xf32, #tpu.memory_space<hbm>> -> memref<256x64xf32, #tpu.memory_space<hbm>>
    tpu.enqueue_dma source(%arg6 : memref<256x64xf32, #tpu.memory_space<vmem>>) target(%dma_start3A_145 : memref<256x64xf32, #tpu.memory_space<hbm>>) target_semaphore(%arg14 : memref<!tpu.dma_semaphore, #tpu.memory_space<semaphore_mem>>)
    %dma_wait3A_146 = arith.constant 0 : i32
    %dma_wait3A_147 = arith.constant 0 : i32
    %dma_wait3A_148 = tpu.memref_slice %arg4[%dma_wait3A_146, %dma_wait3A_147] : memref<1638400x64xf32, #tpu.memory_space<hbm>> -> memref<256x64xf32, #tpu.memory_space<hbm>>
    %dma_wait3A_149 = arith.constant 0 : i32
    %dma_wait3A_150 = arith.constant 0 : i32
    %dma_wait3A_151 = tpu.memref_slice %arg4[%dma_wait3A_149, %dma_wait3A_150] : memref<1638400x64xf32, #tpu.memory_space<hbm>> -> memref<256x64xf32, #tpu.memory_space<hbm>>
    tpu.wait_dma2 semaphore(%arg11 : memref<!tpu.dma_semaphore, #tpu.memory_space<semaphore_mem>>) src(%dma_wait3A_151 : memref<256x64xf32, #tpu.memory_space<hbm>>) dst(%arg7 : memref<256x64xf32, #tpu.memory_space<vmem>>)
    %add3A_152 = arith.constant 24832 : i32
    %add3A_153 = arith.addi %mul3A_2, %add3A_152 : i32
    %dma_start3A_154 = arith.constant 0 : i32
    %dma_start3A_155 = tpu.memref_slice %arg4[%add3A_153, %dma_start3A_154] : memref<1638400x64xf32, #tpu.memory_space<hbm>> -> memref<256x64xf32, #tpu.memory_space<hbm>>
    %dma_start3A_156 = arith.constant 0 : i32
    %dma_start3A_157 = tpu.memref_slice %arg4[%add3A_153, %dma_start3A_156] : memref<1638400x64xf32, #tpu.memory_space<hbm>> -> memref<256x64xf32, #tpu.memory_space<hbm>>
    tpu.enqueue_dma source(%arg7 : memref<256x64xf32, #tpu.memory_space<vmem>>) target(%dma_start3A_157 : memref<256x64xf32, #tpu.memory_space<hbm>>) target_semaphore(%arg15 : memref<!tpu.dma_semaphore, #tpu.memory_space<semaphore_mem>>)
    %dma_wait3A_158 = arith.constant 0 : i32
    %dma_wait3A_159 = arith.constant 0 : i32
    %dma_wait3A_160 = tpu.memref_slice %arg4[%dma_wait3A_158, %dma_wait3A_159] : memref<1638400x64xf32, #tpu.memory_space<hbm>> -> memref<256x64xf32, #tpu.memory_space<hbm>>
    %dma_wait3A_161 = arith.constant 0 : i32
    %dma_wait3A_162 = arith.constant 0 : i32
    %dma_wait3A_163 = tpu.memref_slice %arg4[%dma_wait3A_161, %dma_wait3A_162] : memref<1638400x64xf32, #tpu.memory_space<hbm>> -> memref<256x64xf32, #tpu.memory_space<hbm>>
    tpu.wait_dma2 semaphore(%arg12 : memref<!tpu.dma_semaphore, #tpu.memory_space<semaphore_mem>>) src(%dma_wait3A_163 : memref<256x64xf32, #tpu.memory_space<hbm>>) dst(%arg8 : memref<256x64xf32, #tpu.memory_space<vmem>>)
    %add3A_164 = arith.constant 25088 : i32
    %add3A_165 = arith.addi %mul3A_2, %add3A_164 : i32
    %dma_start3A_166 = arith.constant 0 : i32
    %dma_start3A_167 = tpu.memref_slice %arg4[%add3A_165, %dma_start3A_166] : memref<1638400x64xf32, #tpu.memory_space<hbm>> -> memref<256x64xf32, #tpu.memory_space<hbm>>
    %dma_start3A_168 = arith.constant 0 : i32
    %dma_start3A_169 = tpu.memref_slice %arg4[%add3A_165, %dma_start3A_168] : memref<1638400x64xf32, #tpu.memory_space<hbm>> -> memref<256x64xf32, #tpu.memory_space<hbm>>
    tpu.enqueue_dma source(%arg8 : memref<256x64xf32, #tpu.memory_space<vmem>>) target(%dma_start3A_169 : memref<256x64xf32, #tpu.memory_space<hbm>>) target_semaphore(%arg16 : memref<!tpu.dma_semaphore, #tpu.memory_space<semaphore_mem>>)
    %dma_wait3A_170 = arith.constant 0 : i32
    %dma_wait3A_171 = arith.constant 0 : i32
    %dma_wait3A_172 = tpu.memref_slice %arg4[%dma_wait3A_170, %dma_wait3A_171] : memref<1638400x64xf32, #tpu.memory_space<hbm>> -> memref<256x64xf32, #tpu.memory_space<hbm>>
    %dma_wait3A_173 = arith.constant 0 : i32
    %dma_wait3A_174 = arith.constant 0 : i32
    %dma_wait3A_175 = tpu.memref_slice %arg4[%dma_wait3A_173, %dma_wait3A_174] : memref<1638400x64xf32, #tpu.memory_space<hbm>> -> memref<256x64xf32, #tpu.memory_space<hbm>>
    tpu.wait_dma2 semaphore(%arg13 : memref<!tpu.dma_semaphore, #tpu.memory_space<semaphore_mem>>) src(%dma_wait3A_175 : memref<256x64xf32, #tpu.memory_space<hbm>>) dst(%arg9 : memref<256x64xf32, #tpu.memory_space<vmem>>)
    %add3A_176 = arith.constant 25344 : i32
    %add3A_177 = arith.addi %mul3A_2, %add3A_176 : i32
    %dma_start3A_178 = arith.constant 0 : i32
    %dma_start3A_179 = tpu.memref_slice %arg4[%add3A_177, %dma_start3A_178] : memref<1638400x64xf32, #tpu.memory_space<hbm>> -> memref<256x64xf32, #tpu.memory_space<hbm>>
    %dma_start3A_180 = arith.constant 0 : i32
    %dma_start3A_181 = tpu.memref_slice %arg4[%add3A_177, %dma_start3A_180] : memref<1638400x64xf32, #tpu.memory_space<hbm>> -> memref<256x64xf32, #tpu.memory_space<hbm>>
    tpu.enqueue_dma source(%arg9 : memref<256x64xf32, #tpu.memory_space<vmem>>) target(%dma_start3A_181 : memref<256x64xf32, #tpu.memory_space<hbm>>) target_semaphore(%arg17 : memref<!tpu.dma_semaphore, #tpu.memory_space<semaphore_mem>>)
    %dma_wait3A_182 = arith.constant 0 : i32
    %dma_wait3A_183 = arith.constant 0 : i32
    %dma_wait3A_184 = tpu.memref_slice %arg4[%dma_wait3A_182, %dma_wait3A_183] : memref<1638400x64xf32, #tpu.memory_space<hbm>> -> memref<256x64xf32, #tpu.memory_space<hbm>>
    %dma_wait3A_185 = arith.constant 0 : i32
    %dma_wait3A_186 = arith.constant 0 : i32
    %dma_wait3A_187 = tpu.memref_slice %arg4[%dma_wait3A_185, %dma_wait3A_186] : memref<1638400x64xf32, #tpu.memory_space<hbm>> -> memref<256x64xf32, #tpu.memory_space<hbm>>
    tpu.wait_dma2 semaphore(%arg14 : memref<!tpu.dma_semaphore, #tpu.memory_space<semaphore_mem>>) src(%arg6 : memref<256x64xf32, #tpu.memory_space<vmem>>) dst(%dma_wait3A_187 : memref<256x64xf32, #tpu.memory_space<hbm>>)
    %dma_start3A_188 = arith.constant 200 : i32
    %dma_start3A_189 = arith.constant 0 : i32
    %dma_start3A_190 = arith.constant 0 : i32
    %dma_start3A_191 = tpu.memref_slice %arg6[%dma_start3A_189, %dma_start3A_190] : memref<256x64xf32, #tpu.memory_space<vmem>> -> memref<128x64xf32, #tpu.memory_space<vmem>>
    %dma_start3A_192 = arith.constant 0 : i32
    %dma_start3A_193 = tpu.memref_slice %arg5[%dma_start3A_188, %dma_start3A_192] : memref<400x128xi32, #tpu.memory_space<vmem>> -> memref<1x128xi32, #tpu.memory_space<vmem>>
    %dma_start3A_194 = tpu.memref_squeeze %dma_start3A_193 : memref<1x128xi32, #tpu.memory_space<vmem>> -> memref<128xi32, #tpu.memory_space<vmem>>
    %dma_start3A_195 = arith.constant 0 : i32
    %dma_start3A_196 = arith.constant 0 : i32
    %dma_start3A_197 = tpu.memref_slice %arg2[%dma_start3A_195, %dma_start3A_196] : memref<1000000x64xf32, #tpu.memory_space<hbm>> -> memref<1000000x64xf32, #tpu.memory_space<hbm>>
    tpu.enqueue_indirect_dma source(%dma_start3A_197 : memref<1000000x64xf32, #tpu.memory_space<hbm>>) target(%dma_start3A_191 : memref<128x64xf32, #tpu.memory_space<vmem>>) offsets(%dma_start3A_194 : memref<128xi32, #tpu.memory_space<vmem>>) semaphore(%arg10 : memref<!tpu.dma_semaphore, #tpu.memory_space<semaphore_mem>>)
    %dma_start3A_198 = arith.constant 201 : i32
    %dma_start3A_199 = arith.constant 128 : i32
    %dma_start3A_200 = arith.constant 0 : i32
    %dma_start3A_201 = tpu.memref_slice %arg6[%dma_start3A_199, %dma_start3A_200] : memref<256x64xf32, #tpu.memory_space<vmem>> -> memref<128x64xf32, #tpu.memory_space<vmem>>
    %dma_start3A_202 = arith.constant 0 : i32
    %dma_start3A_203 = tpu.memref_slice %arg5[%dma_start3A_198, %dma_start3A_202] : memref<400x128xi32, #tpu.memory_space<vmem>> -> memref<1x128xi32, #tpu.memory_space<vmem>>
    %dma_start3A_204 = tpu.memref_squeeze %dma_start3A_203 : memref<1x128xi32, #tpu.memory_space<vmem>> -> memref<128xi32, #tpu.memory_space<vmem>>
    %dma_start3A_205 = arith.constant 0 : i32
    %dma_start3A_206 = arith.constant 0 : i32
    %dma_start3A_207 = tpu.memref_slice %arg2[%dma_start3A_205, %dma_start3A_206] : memref<1000000x64xf32, #tpu.memory_space<hbm>> -> memref<1000000x64xf32, #tpu.memory_space<hbm>>
    tpu.enqueue_indirect_dma source(%dma_start3A_207 : memref<1000000x64xf32, #tpu.memory_space<hbm>>) target(%dma_start3A_201 : memref<128x64xf32, #tpu.memory_space<vmem>>) offsets(%dma_start3A_204 : memref<128xi32, #tpu.memory_space<vmem>>) semaphore(%arg10 : memref<!tpu.dma_semaphore, #tpu.memory_space<semaphore_mem>>)
    %dma_wait3A_208 = arith.constant 0 : i32
    %dma_wait3A_209 = arith.constant 0 : i32
    %dma_wait3A_210 = tpu.memref_slice %arg4[%dma_wait3A_208, %dma_wait3A_209] : memref<1638400x64xf32, #tpu.memory_space<hbm>> -> memref<256x64xf32, #tpu.memory_space<hbm>>
    %dma_wait3A_211 = arith.constant 0 : i32
    %dma_wait3A_212 = arith.constant 0 : i32
    %dma_wait3A_213 = tpu.memref_slice %arg4[%dma_wait3A_211, %dma_wait3A_212] : memref<1638400x64xf32, #tpu.memory_space<hbm>> -> memref<256x64xf32, #tpu.memory_space<hbm>>
    tpu.wait_dma2 semaphore(%arg15 : memref<!tpu.dma_semaphore, #tpu.memory_space<semaphore_mem>>) src(%arg7 : memref<256x64xf32, #tpu.memory_space<vmem>>) dst(%dma_wait3A_213 : memref<256x64xf32, #tpu.memory_space<hbm>>)
    %dma_start3A_214 = arith.constant 202 : i32
    %dma_start3A_215 = arith.constant 0 : i32
    %dma_start3A_216 = arith.constant 0 : i32
    %dma_start3A_217 = tpu.memref_slice %arg7[%dma_start3A_215, %dma_start3A_216] : memref<256x64xf32, #tpu.memory_space<vmem>> -> memref<128x64xf32, #tpu.memory_space<vmem>>
    %dma_start3A_218 = arith.constant 0 : i32
    %dma_start3A_219 = tpu.memref_slice %arg5[%dma_start3A_214, %dma_start3A_218] : memref<400x128xi32, #tpu.memory_space<vmem>> -> memref<1x128xi32, #tpu.memory_space<vmem>>
    %dma_start3A_220 = tpu.memref_squeeze %dma_start3A_219 : memref<1x128xi32, #tpu.memory_space<vmem>> -> memref<128xi32, #tpu.memory_space<vmem>>
    %dma_start3A_221 = arith.constant 0 : i32
    %dma_start3A_222 = arith.constant 0 : i32
    %dma_start3A_223 = tpu.memref_slice %arg2[%dma_start3A_221, %dma_start3A_222] : memref<1000000x64xf32, #tpu.memory_space<hbm>> -> memref<1000000x64xf32, #tpu.memory_space<hbm>>
    tpu.enqueue_indirect_dma source(%dma_start3A_223 : memref<1000000x64xf32, #tpu.memory_space<hbm>>) target(%dma_start3A_217 : memref<128x64xf32, #tpu.memory_space<vmem>>) offsets(%dma_start3A_220 : memref<128xi32, #tpu.memory_space<vmem>>) semaphore(%arg11 : memref<!tpu.dma_semaphore, #tpu.memory_space<semaphore_mem>>)
    %dma_start3A_224 = arith.constant 203 : i32
    %dma_start3A_225 = arith.constant 128 : i32
    %dma_start3A_226 = arith.constant 0 : i32
    %dma_start3A_227 = tpu.memref_slice %arg7[%dma_start3A_225, %dma_start3A_226] : memref<256x64xf32, #tpu.memory_space<vmem>> -> memref<128x64xf32, #tpu.memory_space<vmem>>
    %dma_start3A_228 = arith.constant 0 : i32
    %dma_start3A_229 = tpu.memref_slice %arg5[%dma_start3A_224, %dma_start3A_228] : memref<400x128xi32, #tpu.memory_space<vmem>> -> memref<1x128xi32, #tpu.memory_space<vmem>>
    %dma_start3A_230 = tpu.memref_squeeze %dma_start3A_229 : memref<1x128xi32, #tpu.memory_space<vmem>> -> memref<128xi32, #tpu.memory_space<vmem>>
    %dma_start3A_231 = arith.constant 0 : i32
    %dma_start3A_232 = arith.constant 0 : i32
    %dma_start3A_233 = tpu.memref_slice %arg2[%dma_start3A_231, %dma_start3A_232] : memref<1000000x64xf32, #tpu.memory_space<hbm>> -> memref<1000000x64xf32, #tpu.memory_space<hbm>>
    tpu.enqueue_indirect_dma source(%dma_start3A_233 : memref<1000000x64xf32, #tpu.memory_space<hbm>>) target(%dma_start3A_227 : memref<128x64xf32, #tpu.memory_space<vmem>>) offsets(%dma_start3A_230 : memref<128xi32, #tpu.memory_space<vmem>>) semaphore(%arg11 : memref<!tpu.dma_semaphore, #tpu.memory_space<semaphore_mem>>)
    %dma_wait3A_234 = arith.constant 0 : i32
    %dma_wait3A_235 = arith.constant 0 : i32
    %dma_wait3A_236 = tpu.memref_slice %arg4[%dma_wait3A_234, %dma_wait3A_235] : memref<1638400x64xf32, #tpu.memory_space<hbm>> -> memref<256x64xf32, #tpu.memory_space<hbm>>
    %dma_wait3A_237 = arith.constant 0 : i32
    %dma_wait3A_238 = arith.constant 0 : i32
    %dma_wait3A_239 = tpu.memref_slice %arg4[%dma_wait3A_237, %dma_wait3A_238] : memref<1638400x64xf32, #tpu.memory_space<hbm>> -> memref<256x64xf32, #tpu.memory_space<hbm>>
    tpu.wait_dma2 semaphore(%arg16 : memref<!tpu.dma_semaphore, #tpu.memory_space<semaphore_mem>>) src(%arg8 : memref<256x64xf32, #tpu.memory_space<vmem>>) dst(%dma_wait3A_239 : memref<256x64xf32, #tpu.memory_space<hbm>>)
    %dma_start3A_240 = arith.constant 204 : i32
    %dma_start3A_241 = arith.constant 0 : i32
    %dma_start3A_242 = arith.constant 0 : i32
    %dma_start3A_243 = tpu.memref_slice %arg8[%dma_start3A_241, %dma_start3A_242] : memref<256x64xf32, #tpu.memory_space<vmem>> -> memref<128x64xf32, #tpu.memory_space<vmem>>
    %dma_start3A_244 = arith.constant 0 : i32
    %dma_start3A_245 = tpu.memref_slice %arg5[%dma_start3A_240, %dma_start3A_244] : memref<400x128xi32, #tpu.memory_space<vmem>> -> memref<1x128xi32, #tpu.memory_space<vmem>>
    %dma_start3A_246 = tpu.memref_squeeze %dma_start3A_245 : memref<1x128xi32, #tpu.memory_space<vmem>> -> memref<128xi32, #tpu.memory_space<vmem>>
    %dma_start3A_247 = arith.constant 0 : i32
    %dma_start3A_248 = arith.constant 0 : i32
    %dma_start3A_249 = tpu.memref_slice %arg2[%dma_start3A_247, %dma_start3A_248] : memref<1000000x64xf32, #tpu.memory_space<hbm>> -> memref<1000000x64xf32, #tpu.memory_space<hbm>>
    tpu.enqueue_indirect_dma source(%dma_start3A_249 : memref<1000000x64xf32, #tpu.memory_space<hbm>>) target(%dma_start3A_243 : memref<128x64xf32, #tpu.memory_space<vmem>>) offsets(%dma_start3A_246 : memref<128xi32, #tpu.memory_space<vmem>>) semaphore(%arg12 : memref<!tpu.dma_semaphore, #tpu.memory_space<semaphore_mem>>)
    %dma_start3A_250 = arith.constant 205 : i32
    %dma_start3A_251 = arith.constant 128 : i32
    %dma_start3A_252 = arith.constant 0 : i32
    %dma_start3A_253 = tpu.memref_slice %arg8[%dma_start3A_251, %dma_start3A_252] : memref<256x64xf32, #tpu.memory_space<vmem>> -> memref<128x64xf32, #tpu.memory_space<vmem>>
    %dma_start3A_254 = arith.constant 0 : i32
    %dma_start3A_255 = tpu.memref_slice %arg5[%dma_start3A_250, %dma_start3A_254] : memref<400x128xi32, #tpu.memory_space<vmem>> -> memref<1x128xi32, #tpu.memory_space<vmem>>
    %dma_start3A_256 = tpu.memref_squeeze %dma_start3A_255 : memref<1x128xi32, #tpu.memory_space<vmem>> -> memref<128xi32, #tpu.memory_space<vmem>>
    %dma_start3A_257 = arith.constant 0 : i32
    %dma_start3A_258 = arith.constant 0 : i32
    %dma_start3A_259 = tpu.memref_slice %arg2[%dma_start3A_257, %dma_start3A_258] : memref<1000000x64xf32, #tpu.memory_space<hbm>> -> memref<1000000x64xf32, #tpu.memory_space<hbm>>
    tpu.enqueue_indirect_dma source(%dma_start3A_259 : memref<1000000x64xf32, #tpu.memory_space<hbm>>) target(%dma_start3A_253 : memref<128x64xf32, #tpu.memory_space<vmem>>) offsets(%dma_start3A_256 : memref<128xi32, #tpu.memory_space<vmem>>) semaphore(%arg12 : memref<!tpu.dma_semaphore, #tpu.memory_space<semaphore_mem>>)
    %dma_wait3A_260 = arith.constant 0 : i32
    %dma_wait3A_261 = arith.constant 0 : i32
    %dma_wait3A_262 = tpu.memref_slice %arg4[%dma_wait3A_260, %dma_wait3A_261] : memref<1638400x64xf32, #tpu.memory_space<hbm>> -> memref<256x64xf32, #tpu.memory_space<hbm>>
    %dma_wait3A_263 = arith.constant 0 : i32
    %dma_wait3A_264 = arith.constant 0 : i32
    %dma_wait3A_265 = tpu.memref_slice %arg4[%dma_wait3A_263, %dma_wait3A_264] : memref<1638400x64xf32, #tpu.memory_space<hbm>> -> memref<256x64xf32, #tpu.memory_space<hbm>>
    tpu.wait_dma2 semaphore(%arg17 : memref<!tpu.dma_semaphore, #tpu.memory_space<semaphore_mem>>) src(%arg9 : memref<256x64xf32, #tpu.memory_space<vmem>>) dst(%dma_wait3A_265 : memref<256x64xf32, #tpu.memory_space<hbm>>)
    %dma_start3A_266 = arith.constant 206 : i32
    %dma_start3A_267 = arith.constant 0 : i32
    %dma_start3A_268 = arith.constant 0 : i32
    %dma_start3A_269 = tpu.memref_slice %arg9[%dma_start3A_267, %dma_start3A_268] : memref<256x64xf32, #tpu.memory_space<vmem>> -> memref<128x64xf32, #tpu.memory_space<vmem>>
    %dma_start3A_270 = arith.constant 0 : i32
    %dma_start3A_271 = tpu.memref_slice %arg5[%dma_start3A_266, %dma_start3A_270] : memref<400x128xi32, #tpu.memory_space<vmem>> -> memref<1x128xi32, #tpu.memory_space<vmem>>
    %dma_start3A_272 = tpu.memref_squeeze %dma_start3A_271 : memref<1x128xi32, #tpu.memory_space<vmem>> -> memref<128xi32, #tpu.memory_space<vmem>>
    %dma_start3A_273 = arith.constant 0 : i32
    %dma_start3A_274 = arith.constant 0 : i32
    %dma_start3A_275 = tpu.memref_slice %arg2[%dma_start3A_273, %dma_start3A_274] : memref<1000000x64xf32, #tpu.memory_space<hbm>> -> memref<1000000x64xf32, #tpu.memory_space<hbm>>
    tpu.enqueue_indirect_dma source(%dma_start3A_275 : memref<1000000x64xf32, #tpu.memory_space<hbm>>) target(%dma_start3A_269 : memref<128x64xf32, #tpu.memory_space<vmem>>) offsets(%dma_start3A_272 : memref<128xi32, #tpu.memory_space<vmem>>) semaphore(%arg13 : memref<!tpu.dma_semaphore, #tpu.memory_space<semaphore_mem>>)
    %dma_start3A_276 = arith.constant 207 : i32
    %dma_start3A_277 = arith.constant 128 : i32
    %dma_start3A_278 = arith.constant 0 : i32
    %dma_start3A_279 = tpu.memref_slice %arg9[%dma_start3A_277, %dma_start3A_278] : memref<256x64xf32, #tpu.memory_space<vmem>> -> memref<128x64xf32, #tpu.memory_space<vmem>>
    %dma_start3A_280 = arith.constant 0 : i32
    %dma_start3A_281 = tpu.memref_slice %arg5[%dma_start3A_276, %dma_start3A_280] : memref<400x128xi32, #tpu.memory_space<vmem>> -> memref<1x128xi32, #tpu.memory_space<vmem>>
    %dma_start3A_282 = tpu.memref_squeeze %dma_start3A_281 : memref<1x128xi32, #tpu.memory_space<vmem>> -> memref<128xi32, #tpu.memory_space<vmem>>
    %dma_start3A_283 = arith.constant 0 : i32
    %dma_start3A_284 = arith.constant 0 : i32
    %dma_start3A_285 = tpu.memref_slice %arg2[%dma_start3A_283, %dma_start3A_284] : memref<1000000x64xf32, #tpu.memory_space<hbm>> -> memref<1000000x64xf32, #tpu.memory_space<hbm>>
    tpu.enqueue_indirect_dma source(%dma_start3A_285 : memref<1000000x64xf32, #tpu.memory_space<hbm>>) target(%dma_start3A_279 : memref<128x64xf32, #tpu.memory_space<vmem>>) offsets(%dma_start3A_282 : memref<128xi32, #tpu.memory_space<vmem>>) semaphore(%arg13 : memref<!tpu.dma_semaphore, #tpu.memory_space<semaphore_mem>>)
    %scan3A_286 = arith.constant 0 : i32
    %scan3A_287 = arith.constant 25 : i32
    %scan3A_288 = arith.constant 24 : i32
    %scan3A_289 = arith.addi %scan3A_287, %scan3A_288 : i32
    %scan3A_290 = arith.constant 1 : i32
    scf.for %scan3A_364 = %scan3A_287 to %scan3A_289 step %scan3A_290  : i32 {
      %mul3A_365 = arith.constant 4 : i32
      %mul3A_366 = arith.muli %mul3A_365, %scan3A_364 : i32
      %dma_wait3A_367 = arith.constant 0 : i32
      %dma_wait3A_368 = arith.constant 0 : i32
      %dma_wait3A_369 = tpu.memref_slice %arg4[%dma_wait3A_367, %dma_wait3A_368] : memref<1638400x64xf32, #tpu.memory_space<hbm>> -> memref<256x64xf32, #tpu.memory_space<hbm>>
      %dma_wait3A_370 = arith.constant 0 : i32
      %dma_wait3A_371 = arith.constant 0 : i32
      %dma_wait3A_372 = tpu.memref_slice %arg4[%dma_wait3A_370, %dma_wait3A_371] : memref<1638400x64xf32, #tpu.memory_space<hbm>> -> memref<256x64xf32, #tpu.memory_space<hbm>>
      tpu.wait_dma2 semaphore(%arg10 : memref<!tpu.dma_semaphore, #tpu.memory_space<semaphore_mem>>) src(%dma_wait3A_372 : memref<256x64xf32, #tpu.memory_space<hbm>>) dst(%arg6 : memref<256x64xf32, #tpu.memory_space<vmem>>)
      %add3A_373 = arith.constant 0 : i32
      %add3A_374 = arith.addi %mul3A_366, %add3A_373 : i32
      %mul3A_375 = arith.constant 256 : i32
      %mul3A_376 = arith.muli %add3A_374, %mul3A_375 : i32
      %add3A_377 = arith.addi %mul3A_2, %mul3A_376 : i32
      %dma_start3A_378 = arith.constant 0 : i32
      %dma_start3A_379 = tpu.memref_slice %arg4[%add3A_377, %dma_start3A_378] : memref<1638400x64xf32, #tpu.memory_space<hbm>> -> memref<256x64xf32, #tpu.memory_space<hbm>>
      %dma_start3A_380 = arith.constant 0 : i32
      %dma_start3A_381 = tpu.memref_slice %arg4[%add3A_377, %dma_start3A_380] : memref<1638400x64xf32, #tpu.memory_space<hbm>> -> memref<256x64xf32, #tpu.memory_space<hbm>>
      tpu.enqueue_dma source(%arg6 : memref<256x64xf32, #tpu.memory_space<vmem>>) target(%dma_start3A_381 : memref<256x64xf32, #tpu.memory_space<hbm>>) target_semaphore(%arg14 : memref<!tpu.dma_semaphore, #tpu.memory_space<semaphore_mem>>)
      %dma_wait3A_382 = arith.constant 0 : i32
      %dma_wait3A_383 = arith.constant 0 : i32
      %dma_wait3A_384 = tpu.memref_slice %arg4[%dma_wait3A_382, %dma_wait3A_383] : memref<1638400x64xf32, #tpu.memory_space<hbm>> -> memref<256x64xf32, #tpu.memory_space<hbm>>
      %dma_wait3A_385 = arith.constant 0 : i32
      %dma_wait3A_386 = arith.constant 0 : i32
      %dma_wait3A_387 = tpu.memref_slice %arg4[%dma_wait3A_385, %dma_wait3A_386] : memref<1638400x64xf32, #tpu.memory_space<hbm>> -> memref<256x64xf32, #tpu.memory_space<hbm>>
      tpu.wait_dma2 semaphore(%arg11 : memref<!tpu.dma_semaphore, #tpu.memory_space<semaphore_mem>>) src(%dma_wait3A_387 : memref<256x64xf32, #tpu.memory_space<hbm>>) dst(%arg7 : memref<256x64xf32, #tpu.memory_space<vmem>>)
      %add3A_388 = arith.constant 1 : i32
      %add3A_389 = arith.addi %mul3A_366, %add3A_388 : i32
      %mul3A_390 = arith.constant 256 : i32
      %mul3A_391 = arith.muli %add3A_389, %mul3A_390 : i32
      %add3A_392 = arith.addi %mul3A_2, %mul3A_391 : i32
      %dma_start3A_393 = arith.constant 0 : i32
      %dma_start3A_394 = tpu.memref_slice %arg4[%add3A_392, %dma_start3A_393] : memref<1638400x64xf32, #tpu.memory_space<hbm>> -> memref<256x64xf32, #tpu.memory_space<hbm>>
      %dma_start3A_395 = arith.constant 0 : i32
      %dma_start3A_396 = tpu.memref_slice %arg4[%add3A_392, %dma_start3A_395] : memref<1638400x64xf32, #tpu.memory_space<hbm>> -> memref<256x64xf32, #tpu.memory_space<hbm>>
      tpu.enqueue_dma source(%arg7 : memref<256x64xf32, #tpu.memory_space<vmem>>) target(%dma_start3A_396 : memref<256x64xf32, #tpu.memory_space<hbm>>) target_semaphore(%arg15 : memref<!tpu.dma_semaphore, #tpu.memory_space<semaphore_mem>>)
      %dma_wait3A_397 = arith.constant 0 : i32
      %dma_wait3A_398 = arith.constant 0 : i32
      %dma_wait3A_399 = tpu.memref_slice %arg4[%dma_wait3A_397, %dma_wait3A_398] : memref<1638400x64xf32, #tpu.memory_space<hbm>> -> memref<256x64xf32, #tpu.memory_space<hbm>>
      %dma_wait3A_400 = arith.constant 0 : i32
      %dma_wait3A_401 = arith.constant 0 : i32
      %dma_wait3A_402 = tpu.memref_slice %arg4[%dma_wait3A_400, %dma_wait3A_401] : memref<1638400x64xf32, #tpu.memory_space<hbm>> -> memref<256x64xf32, #tpu.memory_space<hbm>>
      tpu.wait_dma2 semaphore(%arg12 : memref<!tpu.dma_semaphore, #tpu.memory_space<semaphore_mem>>) src(%dma_wait3A_402 : memref<256x64xf32, #tpu.memory_space<hbm>>) dst(%arg8 : memref<256x64xf32, #tpu.memory_space<vmem>>)
      %add3A_403 = arith.constant 2 : i32
      %add3A_404 = arith.addi %mul3A_366, %add3A_403 : i32
      %mul3A_405 = arith.constant 256 : i32
      %mul3A_406 = arith.muli %add3A_404, %mul3A_405 : i32
      %add3A_407 = arith.addi %mul3A_2, %mul3A_406 : i32
      %dma_start3A_408 = arith.constant 0 : i32
      %dma_start3A_409 = tpu.memref_slice %arg4[%add3A_407, %dma_start3A_408] : memref<1638400x64xf32, #tpu.memory_space<hbm>> -> memref<256x64xf32, #tpu.memory_space<hbm>>
      %dma_start3A_410 = arith.constant 0 : i32
      %dma_start3A_411 = tpu.memref_slice %arg4[%add3A_407, %dma_start3A_410] : memref<1638400x64xf32, #tpu.memory_space<hbm>> -> memref<256x64xf32, #tpu.memory_space<hbm>>
      tpu.enqueue_dma source(%arg8 : memref<256x64xf32, #tpu.memory_space<vmem>>) target(%dma_start3A_411 : memref<256x64xf32, #tpu.memory_space<hbm>>) target_semaphore(%arg16 : memref<!tpu.dma_semaphore, #tpu.memory_space<semaphore_mem>>)
      %dma_wait3A_412 = arith.constant 0 : i32
      %dma_wait3A_413 = arith.constant 0 : i32
      %dma_wait3A_414 = tpu.memref_slice %arg4[%dma_wait3A_412, %dma_wait3A_413] : memref<1638400x64xf32, #tpu.memory_space<hbm>> -> memref<256x64xf32, #tpu.memory_space<hbm>>
      %dma_wait3A_415 = arith.constant 0 : i32
      %dma_wait3A_416 = arith.constant 0 : i32
      %dma_wait3A_417 = tpu.memref_slice %arg4[%dma_wait3A_415, %dma_wait3A_416] : memref<1638400x64xf32, #tpu.memory_space<hbm>> -> memref<256x64xf32, #tpu.memory_space<hbm>>
      tpu.wait_dma2 semaphore(%arg13 : memref<!tpu.dma_semaphore, #tpu.memory_space<semaphore_mem>>) src(%dma_wait3A_417 : memref<256x64xf32, #tpu.memory_space<hbm>>) dst(%arg9 : memref<256x64xf32, #tpu.memory_space<vmem>>)
      %add3A_418 = arith.constant 3 : i32
      %add3A_419 = arith.addi %mul3A_366, %add3A_418 : i32
      %mul3A_420 = arith.constant 256 : i32
      %mul3A_421 = arith.muli %add3A_419, %mul3A_420 : i32
      %add3A_422 = arith.addi %mul3A_2, %mul3A_421 : i32
      %dma_start3A_423 = arith.constant 0 : i32
      %dma_start3A_424 = tpu.memref_slice %arg4[%add3A_422, %dma_start3A_423] : memref<1638400x64xf32, #tpu.memory_space<hbm>> -> memref<256x64xf32, #tpu.memory_space<hbm>>
      %dma_start3A_425 = arith.constant 0 : i32
      %dma_start3A_426 = tpu.memref_slice %arg4[%add3A_422, %dma_start3A_425] : memref<1638400x64xf32, #tpu.memory_space<hbm>> -> memref<256x64xf32, #tpu.memory_space<hbm>>
      tpu.enqueue_dma source(%arg9 : memref<256x64xf32, #tpu.memory_space<vmem>>) target(%dma_start3A_426 : memref<256x64xf32, #tpu.memory_space<hbm>>) target_semaphore(%arg17 : memref<!tpu.dma_semaphore, #tpu.memory_space<semaphore_mem>>)
      %dma_wait3A_427 = arith.constant 0 : i32
      %dma_wait3A_428 = arith.constant 0 : i32
      %dma_wait3A_429 = tpu.memref_slice %arg4[%dma_wait3A_427, %dma_wait3A_428] : memref<1638400x64xf32, #tpu.memory_space<hbm>> -> memref<256x64xf32, #tpu.memory_space<hbm>>
      %dma_wait3A_430 = arith.constant 0 : i32
      %dma_wait3A_431 = arith.constant 0 : i32
      %dma_wait3A_432 = tpu.memref_slice %arg4[%dma_wait3A_430, %dma_wait3A_431] : memref<1638400x64xf32, #tpu.memory_space<hbm>> -> memref<256x64xf32, #tpu.memory_space<hbm>>
      tpu.wait_dma2 semaphore(%arg14 : memref<!tpu.dma_semaphore, #tpu.memory_space<semaphore_mem>>) src(%arg6 : memref<256x64xf32, #tpu.memory_space<vmem>>) dst(%dma_wait3A_432 : memref<256x64xf32, #tpu.memory_space<hbm>>)
      %add3A_433 = arith.constant 0 : i32
      %add3A_434 = arith.addi %mul3A_366, %add3A_433 : i32
      %add3A_435 = arith.constant 4 : i32
      %add3A_436 = arith.addi %add3A_434, %add3A_435 : i32
      %mul3A_437 = arith.constant 2 : i32
      %mul3A_438 = arith.muli %add3A_436, %mul3A_437 : i32
      %add3A_439 = arith.constant 0 : i32
      %add3A_440 = arith.addi %mul3A_438, %add3A_439 : i32
      %dma_start3A_441 = arith.constant 0 : i32
      %dma_start3A_442 = arith.constant 0 : i32
      %dma_start3A_443 = tpu.memref_slice %arg6[%dma_start3A_441, %dma_start3A_442] : memref<256x64xf32, #tpu.memory_space<vmem>> -> memref<128x64xf32, #tpu.memory_space<vmem>>
      %dma_start3A_444 = arith.constant 0 : i32
      %dma_start3A_445 = tpu.memref_slice %arg5[%add3A_440, %dma_start3A_444] : memref<400x128xi32, #tpu.memory_space<vmem>> -> memref<1x128xi32, #tpu.memory_space<vmem>>
      %dma_start3A_446 = tpu.memref_squeeze %dma_start3A_445 : memref<1x128xi32, #tpu.memory_space<vmem>> -> memref<128xi32, #tpu.memory_space<vmem>>
      %dma_start3A_447 = arith.constant 0 : i32
      %dma_start3A_448 = arith.constant 0 : i32
      %dma_start3A_449 = tpu.memref_slice %arg2[%dma_start3A_447, %dma_start3A_448] : memref<1000000x64xf32, #tpu.memory_space<hbm>> -> memref<1000000x64xf32, #tpu.memory_space<hbm>>
      tpu.enqueue_indirect_dma source(%dma_start3A_449 : memref<1000000x64xf32, #tpu.memory_space<hbm>>) target(%dma_start3A_443 : memref<128x64xf32, #tpu.memory_space<vmem>>) offsets(%dma_start3A_446 : memref<128xi32, #tpu.memory_space<vmem>>) semaphore(%arg10 : memref<!tpu.dma_semaphore, #tpu.memory_space<semaphore_mem>>)
      %mul3A_450 = arith.constant 2 : i32
      %mul3A_451 = arith.muli %add3A_436, %mul3A_450 : i32
      %add3A_452 = arith.constant 1 : i32
      %add3A_453 = arith.addi %mul3A_451, %add3A_452 : i32
      %dma_start3A_454 = arith.constant 128 : i32
      %dma_start3A_455 = arith.constant 0 : i32
      %dma_start3A_456 = tpu.memref_slice %arg6[%dma_start3A_454, %dma_start3A_455] : memref<256x64xf32, #tpu.memory_space<vmem>> -> memref<128x64xf32, #tpu.memory_space<vmem>>
      %dma_start3A_457 = arith.constant 0 : i32
      %dma_start3A_458 = tpu.memref_slice %arg5[%add3A_453, %dma_start3A_457] : memref<400x128xi32, #tpu.memory_space<vmem>> -> memref<1x128xi32, #tpu.memory_space<vmem>>
      %dma_start3A_459 = tpu.memref_squeeze %dma_start3A_458 : memref<1x128xi32, #tpu.memory_space<vmem>> -> memref<128xi32, #tpu.memory_space<vmem>>
      %dma_start3A_460 = arith.constant 0 : i32
      %dma_start3A_461 = arith.constant 0 : i32
      %dma_start3A_462 = tpu.memref_slice %arg2[%dma_start3A_460, %dma_start3A_461] : memref<1000000x64xf32, #tpu.memory_space<hbm>> -> memref<1000000x64xf32, #tpu.memory_space<hbm>>
      tpu.enqueue_indirect_dma source(%dma_start3A_462 : memref<1000000x64xf32, #tpu.memory_space<hbm>>) target(%dma_start3A_456 : memref<128x64xf32, #tpu.memory_space<vmem>>) offsets(%dma_start3A_459 : memref<128xi32, #tpu.memory_space<vmem>>) semaphore(%arg10 : memref<!tpu.dma_semaphore, #tpu.memory_space<semaphore_mem>>)
      %dma_wait3A_463 = arith.constant 0 : i32
      %dma_wait3A_464 = arith.constant 0 : i32
      %dma_wait3A_465 = tpu.memref_slice %arg4[%dma_wait3A_463, %dma_wait3A_464] : memref<1638400x64xf32, #tpu.memory_space<hbm>> -> memref<256x64xf32, #tpu.memory_space<hbm>>
      %dma_wait3A_466 = arith.constant 0 : i32
      %dma_wait3A_467 = arith.constant 0 : i32
      %dma_wait3A_468 = tpu.memref_slice %arg4[%dma_wait3A_466, %dma_wait3A_467] : memref<1638400x64xf32, #tpu.memory_space<hbm>> -> memref<256x64xf32, #tpu.memory_space<hbm>>
      tpu.wait_dma2 semaphore(%arg15 : memref<!tpu.dma_semaphore, #tpu.memory_space<semaphore_mem>>) src(%arg7 : memref<256x64xf32, #tpu.memory_space<vmem>>) dst(%dma_wait3A_468 : memref<256x64xf32, #tpu.memory_space<hbm>>)
      %add3A_469 = arith.constant 1 : i32
      %add3A_470 = arith.addi %mul3A_366, %add3A_469 : i32
      %add3A_471 = arith.constant 4 : i32
      %add3A_472 = arith.addi %add3A_470, %add3A_471 : i32
      %mul3A_473 = arith.constant 2 : i32
      %mul3A_474 = arith.muli %add3A_472, %mul3A_473 : i32
      %add3A_475 = arith.constant 0 : i32
      %add3A_476 = arith.addi %mul3A_474, %add3A_475 : i32
      %dma_start3A_477 = arith.constant 0 : i32
      %dma_start3A_478 = arith.constant 0 : i32
      %dma_start3A_479 = tpu.memref_slice %arg7[%dma_start3A_477, %dma_start3A_478] : memref<256x64xf32, #tpu.memory_space<vmem>> -> memref<128x64xf32, #tpu.memory_space<vmem>>
      %dma_start3A_480 = arith.constant 0 : i32
      %dma_start3A_481 = tpu.memref_slice %arg5[%add3A_476, %dma_start3A_480] : memref<400x128xi32, #tpu.memory_space<vmem>> -> memref<1x128xi32, #tpu.memory_space<vmem>>
      %dma_start3A_482 = tpu.memref_squeeze %dma_start3A_481 : memref<1x128xi32, #tpu.memory_space<vmem>> -> memref<128xi32, #tpu.memory_space<vmem>>
      %dma_start3A_483 = arith.constant 0 : i32
      %dma_start3A_484 = arith.constant 0 : i32
      %dma_start3A_485 = tpu.memref_slice %arg2[%dma_start3A_483, %dma_start3A_484] : memref<1000000x64xf32, #tpu.memory_space<hbm>> -> memref<1000000x64xf32, #tpu.memory_space<hbm>>
      tpu.enqueue_indirect_dma source(%dma_start3A_485 : memref<1000000x64xf32, #tpu.memory_space<hbm>>) target(%dma_start3A_479 : memref<128x64xf32, #tpu.memory_space<vmem>>) offsets(%dma_start3A_482 : memref<128xi32, #tpu.memory_space<vmem>>) semaphore(%arg11 : memref<!tpu.dma_semaphore, #tpu.memory_space<semaphore_mem>>)
      %mul3A_486 = arith.constant 2 : i32
      %mul3A_487 = arith.muli %add3A_472, %mul3A_486 : i32
      %add3A_488 = arith.constant 1 : i32
      %add3A_489 = arith.addi %mul3A_487, %add3A_488 : i32
      %dma_start3A_490 = arith.constant 128 : i32
      %dma_start3A_491 = arith.constant 0 : i32
      %dma_start3A_492 = tpu.memref_slice %arg7[%dma_start3A_490, %dma_start3A_491] : memref<256x64xf32, #tpu.memory_space<vmem>> -> memref<128x64xf32, #tpu.memory_space<vmem>>
      %dma_start3A_493 = arith.constant 0 : i32
      %dma_start3A_494 = tpu.memref_slice %arg5[%add3A_489, %dma_start3A_493] : memref<400x128xi32, #tpu.memory_space<vmem>> -> memref<1x128xi32, #tpu.memory_space<vmem>>
      %dma_start3A_495 = tpu.memref_squeeze %dma_start3A_494 : memref<1x128xi32, #tpu.memory_space<vmem>> -> memref<128xi32, #tpu.memory_space<vmem>>
      %dma_start3A_496 = arith.constant 0 : i32
      %dma_start3A_497 = arith.constant 0 : i32
      %dma_start3A_498 = tpu.memref_slice %arg2[%dma_start3A_496, %dma_start3A_497] : memref<1000000x64xf32, #tpu.memory_space<hbm>> -> memref<1000000x64xf32, #tpu.memory_space<hbm>>
      tpu.enqueue_indirect_dma source(%dma_start3A_498 : memref<1000000x64xf32, #tpu.memory_space<hbm>>) target(%dma_start3A_492 : memref<128x64xf32, #tpu.memory_space<vmem>>) offsets(%dma_start3A_495 : memref<128xi32, #tpu.memory_space<vmem>>) semaphore(%arg11 : memref<!tpu.dma_semaphore, #tpu.memory_space<semaphore_mem>>)
      %dma_wait3A_499 = arith.constant 0 : i32
      %dma_wait3A_500 = arith.constant 0 : i32
      %dma_wait3A_501 = tpu.memref_slice %arg4[%dma_wait3A_499, %dma_wait3A_500] : memref<1638400x64xf32, #tpu.memory_space<hbm>> -> memref<256x64xf32, #tpu.memory_space<hbm>>
      %dma_wait3A_502 = arith.constant 0 : i32
      %dma_wait3A_503 = arith.constant 0 : i32
      %dma_wait3A_504 = tpu.memref_slice %arg4[%dma_wait3A_502, %dma_wait3A_503] : memref<1638400x64xf32, #tpu.memory_space<hbm>> -> memref<256x64xf32, #tpu.memory_space<hbm>>
      tpu.wait_dma2 semaphore(%arg16 : memref<!tpu.dma_semaphore, #tpu.memory_space<semaphore_mem>>) src(%arg8 : memref<256x64xf32, #tpu.memory_space<vmem>>) dst(%dma_wait3A_504 : memref<256x64xf32, #tpu.memory_space<hbm>>)
      %add3A_505 = arith.constant 2 : i32
      %add3A_506 = arith.addi %mul3A_366, %add3A_505 : i32
      %add3A_507 = arith.constant 4 : i32
      %add3A_508 = arith.addi %add3A_506, %add3A_507 : i32
      %mul3A_509 = arith.constant 2 : i32
      %mul3A_510 = arith.muli %add3A_508, %mul3A_509 : i32
      %add3A_511 = arith.constant 0 : i32
      %add3A_512 = arith.addi %mul3A_510, %add3A_511 : i32
      %dma_start3A_513 = arith.constant 0 : i32
      %dma_start3A_514 = arith.constant 0 : i32
      %dma_start3A_515 = tpu.memref_slice %arg8[%dma_start3A_513, %dma_start3A_514] : memref<256x64xf32, #tpu.memory_space<vmem>> -> memref<128x64xf32, #tpu.memory_space<vmem>>
      %dma_start3A_516 = arith.constant 0 : i32
      %dma_start3A_517 = tpu.memref_slice %arg5[%add3A_512, %dma_start3A_516] : memref<400x128xi32, #tpu.memory_space<vmem>> -> memref<1x128xi32, #tpu.memory_space<vmem>>
      %dma_start3A_518 = tpu.memref_squeeze %dma_start3A_517 : memref<1x128xi32, #tpu.memory_space<vmem>> -> memref<128xi32, #tpu.memory_space<vmem>>
      %dma_start3A_519 = arith.constant 0 : i32
      %dma_start3A_520 = arith.constant 0 : i32
      %dma_start3A_521 = tpu.memref_slice %arg2[%dma_start3A_519, %dma_start3A_520] : memref<1000000x64xf32, #tpu.memory_space<hbm>> -> memref<1000000x64xf32, #tpu.memory_space<hbm>>
      tpu.enqueue_indirect_dma source(%dma_start3A_521 : memref<1000000x64xf32, #tpu.memory_space<hbm>>) target(%dma_start3A_515 : memref<128x64xf32, #tpu.memory_space<vmem>>) offsets(%dma_start3A_518 : memref<128xi32, #tpu.memory_space<vmem>>) semaphore(%arg12 : memref<!tpu.dma_semaphore, #tpu.memory_space<semaphore_mem>>)
      %mul3A_522 = arith.constant 2 : i32
      %mul3A_523 = arith.muli %add3A_508, %mul3A_522 : i32
      %add3A_524 = arith.constant 1 : i32
      %add3A_525 = arith.addi %mul3A_523, %add3A_524 : i32
      %dma_start3A_526 = arith.constant 128 : i32
      %dma_start3A_527 = arith.constant 0 : i32
      %dma_start3A_528 = tpu.memref_slice %arg8[%dma_start3A_526, %dma_start3A_527] : memref<256x64xf32, #tpu.memory_space<vmem>> -> memref<128x64xf32, #tpu.memory_space<vmem>>
      %dma_start3A_529 = arith.constant 0 : i32
      %dma_start3A_530 = tpu.memref_slice %arg5[%add3A_525, %dma_start3A_529] : memref<400x128xi32, #tpu.memory_space<vmem>> -> memref<1x128xi32, #tpu.memory_space<vmem>>
      %dma_start3A_531 = tpu.memref_squeeze %dma_start3A_530 : memref<1x128xi32, #tpu.memory_space<vmem>> -> memref<128xi32, #tpu.memory_space<vmem>>
      %dma_start3A_532 = arith.constant 0 : i32
      %dma_start3A_533 = arith.constant 0 : i32
      %dma_start3A_534 = tpu.memref_slice %arg2[%dma_start3A_532, %dma_start3A_533] : memref<1000000x64xf32, #tpu.memory_space<hbm>> -> memref<1000000x64xf32, #tpu.memory_space<hbm>>
      tpu.enqueue_indirect_dma source(%dma_start3A_534 : memref<1000000x64xf32, #tpu.memory_space<hbm>>) target(%dma_start3A_528 : memref<128x64xf32, #tpu.memory_space<vmem>>) offsets(%dma_start3A_531 : memref<128xi32, #tpu.memory_space<vmem>>) semaphore(%arg12 : memref<!tpu.dma_semaphore, #tpu.memory_space<semaphore_mem>>)
      %dma_wait3A_535 = arith.constant 0 : i32
      %dma_wait3A_536 = arith.constant 0 : i32
      %dma_wait3A_537 = tpu.memref_slice %arg4[%dma_wait3A_535, %dma_wait3A_536] : memref<1638400x64xf32, #tpu.memory_space<hbm>> -> memref<256x64xf32, #tpu.memory_space<hbm>>
      %dma_wait3A_538 = arith.constant 0 : i32
      %dma_wait3A_539 = arith.constant 0 : i32
      %dma_wait3A_540 = tpu.memref_slice %arg4[%dma_wait3A_538, %dma_wait3A_539] : memref<1638400x64xf32, #tpu.memory_space<hbm>> -> memref<256x64xf32, #tpu.memory_space<hbm>>
      tpu.wait_dma2 semaphore(%arg17 : memref<!tpu.dma_semaphore, #tpu.memory_space<semaphore_mem>>) src(%arg9 : memref<256x64xf32, #tpu.memory_space<vmem>>) dst(%dma_wait3A_540 : memref<256x64xf32, #tpu.memory_space<hbm>>)
      %add3A_541 = arith.constant 3 : i32
      %add3A_542 = arith.addi %mul3A_366, %add3A_541 : i32
      %add3A_543 = arith.constant 4 : i32
      %add3A_544 = arith.addi %add3A_542, %add3A_543 : i32
      %mul3A_545 = arith.constant 2 : i32
      %mul3A_546 = arith.muli %add3A_544, %mul3A_545 : i32
      %add3A_547 = arith.constant 0 : i32
      %add3A_548 = arith.addi %mul3A_546, %add3A_547 : i32
      %dma_start3A_549 = arith.constant 0 : i32
      %dma_start3A_550 = arith.constant 0 : i32
      %dma_start3A_551 = tpu.memref_slice %arg9[%dma_start3A_549, %dma_start3A_550] : memref<256x64xf32, #tpu.memory_space<vmem>> -> memref<128x64xf32, #tpu.memory_space<vmem>>
      %dma_start3A_552 = arith.constant 0 : i32
      %dma_start3A_553 = tpu.memref_slice %arg5[%add3A_548, %dma_start3A_552] : memref<400x128xi32, #tpu.memory_space<vmem>> -> memref<1x128xi32, #tpu.memory_space<vmem>>
      %dma_start3A_554 = tpu.memref_squeeze %dma_start3A_553 : memref<1x128xi32, #tpu.memory_space<vmem>> -> memref<128xi32, #tpu.memory_space<vmem>>
      %dma_start3A_555 = arith.constant 0 : i32
      %dma_start3A_556 = arith.constant 0 : i32
      %dma_start3A_557 = tpu.memref_slice %arg2[%dma_start3A_555, %dma_start3A_556] : memref<1000000x64xf32, #tpu.memory_space<hbm>> -> memref<1000000x64xf32, #tpu.memory_space<hbm>>
      tpu.enqueue_indirect_dma source(%dma_start3A_557 : memref<1000000x64xf32, #tpu.memory_space<hbm>>) target(%dma_start3A_551 : memref<128x64xf32, #tpu.memory_space<vmem>>) offsets(%dma_start3A_554 : memref<128xi32, #tpu.memory_space<vmem>>) semaphore(%arg13 : memref<!tpu.dma_semaphore, #tpu.memory_space<semaphore_mem>>)
      %mul3A_558 = arith.constant 2 : i32
      %mul3A_559 = arith.muli %add3A_544, %mul3A_558 : i32
      %add3A_560 = arith.constant 1 : i32
      %add3A_561 = arith.addi %mul3A_559, %add3A_560 : i32
      %dma_start3A_562 = arith.constant 128 : i32
      %dma_start3A_563 = arith.constant 0 : i32
      %dma_start3A_564 = tpu.memref_slice %arg9[%dma_start3A_562, %dma_start3A_563] : memref<256x64xf32, #tpu.memory_space<vmem>> -> memref<128x64xf32, #tpu.memory_space<vmem>>
      %dma_start3A_565 = arith.constant 0 : i32
      %dma_start3A_566 = tpu.memref_slice %arg5[%add3A_561, %dma_start3A_565] : memref<400x128xi32, #tpu.memory_space<vmem>> -> memref<1x128xi32, #tpu.memory_space<vmem>>
      %dma_start3A_567 = tpu.memref_squeeze %dma_start3A_566 : memref<1x128xi32, #tpu.memory_space<vmem>> -> memref<128xi32, #tpu.memory_space<vmem>>
      %dma_start3A_568 = arith.constant 0 : i32
      %dma_start3A_569 = arith.constant 0 : i32
      %dma_start3A_570 = tpu.memref_slice %arg2[%dma_start3A_568, %dma_start3A_569] : memref<1000000x64xf32, #tpu.memory_space<hbm>> -> memref<1000000x64xf32, #tpu.memory_space<hbm>>
      tpu.enqueue_indirect_dma source(%dma_start3A_570 : memref<1000000x64xf32, #tpu.memory_space<hbm>>) target(%dma_start3A_564 : memref<128x64xf32, #tpu.memory_space<vmem>>) offsets(%dma_start3A_567 : memref<128xi32, #tpu.memory_space<vmem>>) semaphore(%arg13 : memref<!tpu.dma_semaphore, #tpu.memory_space<semaphore_mem>>)
    }
    %scan3A_291 = arith.constant 24 : i32
    %dma_wait3A_292 = arith.constant 0 : i32
    %dma_wait3A_293 = arith.constant 0 : i32
    %dma_wait3A_294 = tpu.memref_slice %arg4[%dma_wait3A_292, %dma_wait3A_293] : memref<1638400x64xf32, #tpu.memory_space<hbm>> -> memref<256x64xf32, #tpu.memory_space<hbm>>
    %dma_wait3A_295 = arith.constant 0 : i32
    %dma_wait3A_296 = arith.constant 0 : i32
    %dma_wait3A_297 = tpu.memref_slice %arg4[%dma_wait3A_295, %dma_wait3A_296] : memref<1638400x64xf32, #tpu.memory_space<hbm>> -> memref<256x64xf32, #tpu.memory_space<hbm>>
    tpu.wait_dma2 semaphore(%arg10 : memref<!tpu.dma_semaphore, #tpu.memory_space<semaphore_mem>>) src(%dma_wait3A_297 : memref<256x64xf32, #tpu.memory_space<hbm>>) dst(%arg6 : memref<256x64xf32, #tpu.memory_space<vmem>>)
    %add3A_298 = arith.constant 50176 : i32
    %add3A_299 = arith.addi %mul3A_2, %add3A_298 : i32
    %dma_start3A_300 = arith.constant 0 : i32
    %dma_start3A_301 = tpu.memref_slice %arg4[%add3A_299, %dma_start3A_300] : memref<1638400x64xf32, #tpu.memory_space<hbm>> -> memref<256x64xf32, #tpu.memory_space<hbm>>
    %dma_start3A_302 = arith.constant 0 : i32
    %dma_start3A_303 = tpu.memref_slice %arg4[%add3A_299, %dma_start3A_302] : memref<1638400x64xf32, #tpu.memory_space<hbm>> -> memref<256x64xf32, #tpu.memory_space<hbm>>
    tpu.enqueue_dma source(%arg6 : memref<256x64xf32, #tpu.memory_space<vmem>>) target(%dma_start3A_303 : memref<256x64xf32, #tpu.memory_space<hbm>>) target_semaphore(%arg14 : memref<!tpu.dma_semaphore, #tpu.memory_space<semaphore_mem>>)
    %dma_wait3A_304 = arith.constant 0 : i32
    %dma_wait3A_305 = arith.constant 0 : i32
    %dma_wait3A_306 = tpu.memref_slice %arg4[%dma_wait3A_304, %dma_wait3A_305] : memref<1638400x64xf32, #tpu.memory_space<hbm>> -> memref<256x64xf32, #tpu.memory_space<hbm>>
    %dma_wait3A_307 = arith.constant 0 : i32
    %dma_wait3A_308 = arith.constant 0 : i32
    %dma_wait3A_309 = tpu.memref_slice %arg4[%dma_wait3A_307, %dma_wait3A_308] : memref<1638400x64xf32, #tpu.memory_space<hbm>> -> memref<256x64xf32, #tpu.memory_space<hbm>>
    tpu.wait_dma2 semaphore(%arg11 : memref<!tpu.dma_semaphore, #tpu.memory_space<semaphore_mem>>) src(%dma_wait3A_309 : memref<256x64xf32, #tpu.memory_space<hbm>>) dst(%arg7 : memref<256x64xf32, #tpu.memory_space<vmem>>)
    %add3A_310 = arith.constant 50432 : i32
    %add3A_311 = arith.addi %mul3A_2, %add3A_310 : i32
    %dma_start3A_312 = arith.constant 0 : i32
    %dma_start3A_313 = tpu.memref_slice %arg4[%add3A_311, %dma_start3A_312] : memref<1638400x64xf32, #tpu.memory_space<hbm>> -> memref<256x64xf32, #tpu.memory_space<hbm>>
    %dma_start3A_314 = arith.constant 0 : i32
    %dma_start3A_315 = tpu.memref_slice %arg4[%add3A_311, %dma_start3A_314] : memref<1638400x64xf32, #tpu.memory_space<hbm>> -> memref<256x64xf32, #tpu.memory_space<hbm>>
    tpu.enqueue_dma source(%arg7 : memref<256x64xf32, #tpu.memory_space<vmem>>) target(%dma_start3A_315 : memref<256x64xf32, #tpu.memory_space<hbm>>) target_semaphore(%arg15 : memref<!tpu.dma_semaphore, #tpu.memory_space<semaphore_mem>>)
    %dma_wait3A_316 = arith.constant 0 : i32
    %dma_wait3A_317 = arith.constant 0 : i32
    %dma_wait3A_318 = tpu.memref_slice %arg4[%dma_wait3A_316, %dma_wait3A_317] : memref<1638400x64xf32, #tpu.memory_space<hbm>> -> memref<256x64xf32, #tpu.memory_space<hbm>>
    %dma_wait3A_319 = arith.constant 0 : i32
    %dma_wait3A_320 = arith.constant 0 : i32
    %dma_wait3A_321 = tpu.memref_slice %arg4[%dma_wait3A_319, %dma_wait3A_320] : memref<1638400x64xf32, #tpu.memory_space<hbm>> -> memref<256x64xf32, #tpu.memory_space<hbm>>
    tpu.wait_dma2 semaphore(%arg12 : memref<!tpu.dma_semaphore, #tpu.memory_space<semaphore_mem>>) src(%dma_wait3A_321 : memref<256x64xf32, #tpu.memory_space<hbm>>) dst(%arg8 : memref<256x64xf32, #tpu.memory_space<vmem>>)
    %add3A_322 = arith.constant 50688 : i32
    %add3A_323 = arith.addi %mul3A_2, %add3A_322 : i32
    %dma_start3A_324 = arith.constant 0 : i32
    %dma_start3A_325 = tpu.memref_slice %arg4[%add3A_323, %dma_start3A_324] : memref<1638400x64xf32, #tpu.memory_space<hbm>> -> memref<256x64xf32, #tpu.memory_space<hbm>>
    %dma_start3A_326 = arith.constant 0 : i32
    %dma_start3A_327 = tpu.memref_slice %arg4[%add3A_323, %dma_start3A_326] : memref<1638400x64xf32, #tpu.memory_space<hbm>> -> memref<256x64xf32, #tpu.memory_space<hbm>>
    tpu.enqueue_dma source(%arg8 : memref<256x64xf32, #tpu.memory_space<vmem>>) target(%dma_start3A_327 : memref<256x64xf32, #tpu.memory_space<hbm>>) target_semaphore(%arg16 : memref<!tpu.dma_semaphore, #tpu.memory_space<semaphore_mem>>)
    %dma_wait3A_328 = arith.constant 0 : i32
    %dma_wait3A_329 = arith.constant 0 : i32
    %dma_wait3A_330 = tpu.memref_slice %arg4[%dma_wait3A_328, %dma_wait3A_329] : memref<1638400x64xf32, #tpu.memory_space<hbm>> -> memref<256x64xf32, #tpu.memory_space<hbm>>
    %dma_wait3A_331 = arith.constant 0 : i32
    %dma_wait3A_332 = arith.constant 0 : i32
    %dma_wait3A_333 = tpu.memref_slice %arg4[%dma_wait3A_331, %dma_wait3A_332] : memref<1638400x64xf32, #tpu.memory_space<hbm>> -> memref<256x64xf32, #tpu.memory_space<hbm>>
    tpu.wait_dma2 semaphore(%arg13 : memref<!tpu.dma_semaphore, #tpu.memory_space<semaphore_mem>>) src(%dma_wait3A_333 : memref<256x64xf32, #tpu.memory_space<hbm>>) dst(%arg9 : memref<256x64xf32, #tpu.memory_space<vmem>>)
    %add3A_334 = arith.constant 50944 : i32
    %add3A_335 = arith.addi %mul3A_2, %add3A_334 : i32
    %dma_start3A_336 = arith.constant 0 : i32
    %dma_start3A_337 = tpu.memref_slice %arg4[%add3A_335, %dma_start3A_336] : memref<1638400x64xf32, #tpu.memory_space<hbm>> -> memref<256x64xf32, #tpu.memory_space<hbm>>
    %dma_start3A_338 = arith.constant 0 : i32
    %dma_start3A_339 = tpu.memref_slice %arg4[%add3A_335, %dma_start3A_338] : memref<1638400x64xf32, #tpu.memory_space<hbm>> -> memref<256x64xf32, #tpu.memory_space<hbm>>
    tpu.enqueue_dma source(%arg9 : memref<256x64xf32, #tpu.memory_space<vmem>>) target(%dma_start3A_339 : memref<256x64xf32, #tpu.memory_space<hbm>>) target_semaphore(%arg17 : memref<!tpu.dma_semaphore, #tpu.memory_space<semaphore_mem>>)
    %dma_wait3A_340 = arith.constant 0 : i32
    %dma_wait3A_341 = arith.constant 0 : i32
    %dma_wait3A_342 = tpu.memref_slice %arg4[%dma_wait3A_340, %dma_wait3A_341] : memref<1638400x64xf32, #tpu.memory_space<hbm>> -> memref<256x64xf32, #tpu.memory_space<hbm>>
    %dma_wait3A_343 = arith.constant 0 : i32
    %dma_wait3A_344 = arith.constant 0 : i32
    %dma_wait3A_345 = tpu.memref_slice %arg4[%dma_wait3A_343, %dma_wait3A_344] : memref<1638400x64xf32, #tpu.memory_space<hbm>> -> memref<256x64xf32, #tpu.memory_space<hbm>>
    tpu.wait_dma2 semaphore(%arg14 : memref<!tpu.dma_semaphore, #tpu.memory_space<semaphore_mem>>) src(%arg6 : memref<256x64xf32, #tpu.memory_space<vmem>>) dst(%dma_wait3A_345 : memref<256x64xf32, #tpu.memory_space<hbm>>)
    %dma_wait3A_346 = arith.constant 0 : i32
    %dma_wait3A_347 = arith.constant 0 : i32
    %dma_wait3A_348 = tpu.memref_slice %arg4[%dma_wait3A_346, %dma_wait3A_347] : memref<1638400x64xf32, #tpu.memory_space<hbm>> -> memref<256x64xf32, #tpu.memory_space<hbm>>
    %dma_wait3A_349 = arith.constant 0 : i32
    %dma_wait3A_350 = arith.constant 0 : i32
    %dma_wait3A_351 = tpu.memref_slice %arg4[%dma_wait3A_349, %dma_wait3A_350] : memref<1638400x64xf32, #tpu.memory_space<hbm>> -> memref<256x64xf32, #tpu.memory_space<hbm>>
    tpu.wait_dma2 semaphore(%arg15 : memref<!tpu.dma_semaphore, #tpu.memory_space<semaphore_mem>>) src(%arg7 : memref<256x64xf32, #tpu.memory_space<vmem>>) dst(%dma_wait3A_351 : memref<256x64xf32, #tpu.memory_space<hbm>>)
    %dma_wait3A_352 = arith.constant 0 : i32
    %dma_wait3A_353 = arith.constant 0 : i32
    %dma_wait3A_354 = tpu.memref_slice %arg4[%dma_wait3A_352, %dma_wait3A_353] : memref<1638400x64xf32, #tpu.memory_space<hbm>> -> memref<256x64xf32, #tpu.memory_space<hbm>>
    %dma_wait3A_355 = arith.constant 0 : i32
    %dma_wait3A_356 = arith.constant 0 : i32
    %dma_wait3A_357 = tpu.memref_slice %arg4[%dma_wait3A_355, %dma_wait3A_356] : memref<1638400x64xf32, #tpu.memory_space<hbm>> -> memref<256x64xf32, #tpu.memory_space<hbm>>
    tpu.wait_dma2 semaphore(%arg16 : memref<!tpu.dma_semaphore, #tpu.memory_space<semaphore_mem>>) src(%arg8 : memref<256x64xf32, #tpu.memory_space<vmem>>) dst(%dma_wait3A_357 : memref<256x64xf32, #tpu.memory_space<hbm>>)
    %dma_wait3A_358 = arith.constant 0 : i32
    %dma_wait3A_359 = arith.constant 0 : i32
    %dma_wait3A_360 = tpu.memref_slice %arg4[%dma_wait3A_358, %dma_wait3A_359] : memref<1638400x64xf32, #tpu.memory_space<hbm>> -> memref<256x64xf32, #tpu.memory_space<hbm>>
    %dma_wait3A_361 = arith.constant 0 : i32
    %dma_wait3A_362 = arith.constant 0 : i32
    %dma_wait3A_363 = tpu.memref_slice %arg4[%dma_wait3A_361, %dma_wait3A_362] : memref<1638400x64xf32, #tpu.memory_space<hbm>> -> memref<256x64xf32, #tpu.memory_space<hbm>>
    tpu.wait_dma2 semaphore(%arg17 : memref<!tpu.dma_semaphore, #tpu.memory_space<semaphore_mem>>) src(%arg9 : memref<256x64xf32, #tpu.memory_space<vmem>>) dst(%dma_wait3A_363 : memref<256x64xf32, #tpu.memory_space<hbm>>)
    return
  }
}

</mosaic_0001>

<sc_bundles>
// kernel: kernel.3.cloned.1.call-start
scs
__scs_entry_jumppad:
0x0: {  	(pc) =	sbr.rel $0x88, $3  }
0x1: {  	(tag) =	ssettag $0x0;
	lr =	simm.s32 $0x1  }
0x2: {  	[smem:$0x3F9F] =	sst lr;
	_ =	strace $0xD0000000  }
0x3: {  	_ = 	snop  }
0x4: {  	_ = 	snop  }
0x5: {  	_ = 	snop  }
0x6: {  	_ = 	snop  }
0x7: {  	_ = 	snop  }
__scs_overlays_trampoline_lowered:
0x8: {  	[smem:$0x3FAE] =	sst s0  }
0x9: {  	[smem:$0x3FAF] =	sst s1  }
0xa: {  	[smem:$0x3FB0] =	sst s2  }
0xb: {  	[smem:$0x3FB1] =	sst s3  }
0xc: {  	[smem:$0x3FB2] =	sst s4  }
0xd: {  	[smem:$0x3FB3] =	sst s5  }
0xe: {  	[smem:$0x3FB4] =	sst s6  }
0xf: {  	[smem:$0x3FB5] =	sst s7  }
0x10: {  	[smem:$0x3FB6] =	sst s8  }
0x11: {  	[smem:$0x3FB7] =	sst s9;
	s0 =	simm.s32 @!p0 $0x0  }
0x12: {  	s1 =	sld [smem:$0x3F9D];
	s0 =	simm.s32 @p0 $0x1  }
0x13: {  	[smem:$0x3FB8] =	sst s0;
	s0 =	simm.s32 @!p1 $0x0  }
0x14: {  	s2 =	sld [smem:$0x3F9C];
	s0 =	simm.s32 @p1 $0x1  }
0x15: {  	[smem:$0x3FB9] =	sst s0;
	s0 =	simm.s32 @!p2 $0x0  }
0x16: {  	s3 =	sld [smem:$0x3FDB];
	s0 =	simm.s32 @p2 $0x1  }
0x17: {  	s4 =	simm.s32 $0x1BF5;
	[smem:$0x3FBB] =	sst s0  }
0x18: {  	s0 =	sld [smem:$0x3F9E];
	_ =	swait.ge [sflag:s4], $0x0  }
0x19: {  	s7 =	sld [smem:$0x3F9F]  }
0x1a: {  	s8 =	sadd.s32 $0xFFFFE003, lr  }
0x1b: {  	s9 =	sadd.s32 $0xFFFFFEF7, lr;
	s5 =	simm.s32 $0xFFFFFFFF;
	p2 =	slt.u32 s8, $0xFFFFF086  }
0x1c: {  	p1 =	slt.u32 s9, $0xF7A;
	s5 =	simm.s32 @!p2 $0x0  }
0x1d: {  	s5 =	simm.s32 @p1 $0x1;
	p0 =	seq.s32 s7, s2  }
0x1e: {  	s7 =	smul.u32 @!p0 $0xF7A, s2;
	p2 =	seq.s32 @!p0 s5, $0x0  }
0x1f: {  	s9 =	smul.u32 $0xF7A, s1;
	s8 =	simm.s32 @!p0 $0x1BF5;
	p2 =	por !p2, p0  }
0x20: {  	[sflag:s8] =	ssyncset.s32 @!p0 $0xFFFFF086;
	s6 =	sadd.s32 @!p0 s3, s7;
	s7 =	simm.s32 @!p0 $0x108  }
0x21: {  	s3 =	sadd.s32 s3, s9;
	s6 =	sadd.s32 @!p0 $0x88, s6;
	s7 =	simm.s32 @p2 $0x1082  }
0x22: {  	[simem:s7], [sflag:s8] =	dma.local @!p0 [hbm:s6], $0xF7A  }
0x23: {  	s9 =	sor.u32 $0xD0000000, s2;
	s6 =	simm.s32 $0x108;
	_ =	swait.ge @!p0 [sflag:s8], $0x0  }
0x24: {  	s3 =	sadd.s32 $0x88, s3;
	s6 =	simm.s32 @!p1 $0x1082;
	[sflag:s4] =	ssyncset.s32 $0xFFFFF086  }
0x25: {  	[simem:s6], [sflag:s4] =	dma.local [hbm:s3], $0xF7A  }
0x26: {  	[smem:$0x3F9F] =	sst s1;
	(tag) =	ssettag s2;
	_ =	strace s9  }
0x27: {  	s1 =	sld [smem:$0x3FAF]  }
0x28: {  	s2 =	sld [smem:$0x3FB0]  }
0x29: {  	s4 =	sld [smem:$0x3FB2]  }
0x2a: {  	p0 =	seq.s32 s5, $0x0;
	s5 =	sld [smem:$0x3FB3]  }
0x2b: {  	s6 =	sld [smem:$0x3FB4]  }
0x2c: {  	s7 =	sld [smem:$0x3FB5]  }
0x2d: {  	s3 =	simm.s32 $0x108;
	s8 =	sld [smem:$0x3FB6]  }
0x2e: {  	s3 =	simm.s32 @!p0 $0x1082;
	s9 =	sld [smem:$0x3FB7]  }
0x2f: {  	lr =	sadd.s32 s0, s3;
	s0 =	sld [smem:$0x3FAE]  }
0x30: {  	s3 =	sld [smem:$0x3FB1]  }
0x31: {  	[smem:$0x3FBA] =	sst s10  }
0x32: {  	s10 =	sld [smem:$0x3FB8];
	_ =	sdelay $0x3  }
0x33: {  	p0 =	seq.s32 s10, $0x1;
	s10 =	sld [smem:$0x3FBA];
	_ =	sdelay $0x3  }
0x34: {  	[smem:$0x3FBA] =	sst s10  }
0x35: {  	s10 =	sld [smem:$0x3FB9];
	_ =	sdelay $0x3  }
0x36: {  	p1 =	seq.s32 s10, $0x1;
	s10 =	sld [smem:$0x3FBA];
	_ =	sdelay $0x3  }
0x37: {  	[smem:$0x3FBA] =	sst s10  }
0x38: {  	s10 =	sld [smem:$0x3FBB]  }
0x39: {  	_ = 	snop;
	(pc) =	sbr.ind lr, $3  }
0x3a: {  	_ = 	snop  }
0x3b: {  	_ = 	snop  }
0x3c: {  	p2 =	seq.s32 s10, $0x1;
	s10 =	sld [smem:$0x3FBA]  }
0x3d: {  	_ =	shalt  }
0x3e: {  	_ =	shalt  }
0x3f: {  	_ =	shalt  }
0x40: {  	_ =	shalt  }
0x41: {  	_ =	shalt  }
0x42: {  	_ =	shalt  }
0x43: {  	_ =	shalt  }
0x44: {  	_ =	shalt  }
0x45: {  	_ =	shalt  }
0x46: {  	_ =	shalt  }
0x47: {  	_ =	shalt  }
0x48: {  	_ =	shalt  }
0x49: {  	_ =	shalt  }
0x4a: {  	_ =	shalt  }
0x4b: {  	_ =	shalt  }
0x4c: {  	_ =	shalt  }
0x4d: {  	_ =	shalt  }
0x4e: {  	_ =	shalt  }
0x4f: {  	_ =	shalt  }
0x50: {  	_ =	shalt  }
0x51: {  	_ =	shalt  }
0x52: {  	_ =	shalt  }
0x53: {  	_ =	shalt  }
0x54: {  	_ =	shalt  }
0x55: {  	_ =	shalt  }
0x56: {  	_ =	shalt  }
0x57: {  	_ =	shalt  }
0x58: {  	_ =	shalt  }
0x59: {  	_ =	shalt  }
0x5a: {  	_ =	shalt  }
0x5b: {  	_ =	shalt  }
0x5c: {  	_ =	shalt  }
0x5d: {  	_ =	shalt  }
0x5e: {  	_ =	shalt  }
0x5f: {  	_ =	shalt  }
0x60: {  	_ =	shalt  }
0x61: {  	_ =	shalt  }
0x62: {  	_ =	shalt  }
0x63: {  	_ =	shalt  }
0x64: {  	_ =	shalt  }
0x65: {  	_ =	shalt  }
0x66: {  	_ =	shalt  }
0x67: {  	_ =	shalt  }
0x68: {  	_ =	shalt  }
0x69: {  	_ =	shalt  }
0x6a: {  	_ =	shalt  }
0x6b: {  	_ =	shalt  }
0x6c: {  	_ =	shalt  }
0x6d: {  	_ =	shalt  }
0x6e: {  	_ =	shalt  }
0x6f: {  	_ =	shalt  }
0x70: {  	_ =	shalt  }
0x71: {  	_ =	shalt  }
0x72: {  	_ =	shalt  }
0x73: {  	_ =	shalt  }
0x74: {  	_ =	shalt  }
0x75: {  	_ =	shalt  }
0x76: {  	_ =	shalt  }
0x77: {  	_ =	shalt  }
0x78: {  	_ =	shalt  }
0x79: {  	_ =	shalt  }
0x7a: {  	_ =	shalt  }
0x7b: {  	_ =	shalt  }
0x7c: {  	_ =	shalt  }
0x7d: {  	_ =	shalt  }
0x7e: {  	_ =	shalt  }
0x7f: {  	_ =	shalt  }
0x80: {  	_ =	shalt  }
0x81: {  	_ =	shalt  }
0x82: {  	_ =	shalt  }
0x83: {  	_ =	shalt  }
0x84: {  	_ =	shalt  }
0x85: {  	_ =	shalt  }
0x86: {  	_ =	shalt  }
0x87: {  	_ =	shalt  }
.Lfunc_end0:
.L_simem_size_0:
called_computation.1_lowered:
.L_overlay_start_0:
0x88: {  	s2 =	sld [smem:$0x3FD9]  }
0x89: {  	s3 =	sld [smem:$0x3FFE];
	_ =	sdelay $0x1  }
0x8a: {  	s1 =	srdreg.scid  }
0x8b: {  	s0 =	sand.u32 $0x1, s1  }
0x8c: {  	s17 =	sshll.u32 s0, $0xA;
	s2 =	sadd.s32 s3, s2  }
0x8d: {  	s2 =	sadd.s32 s2, s17  }
0x8e: {  	[smem:$0x3FC6] =	sst s2  }
0x8f: {  	_ = 	snop  }
0x90: {  	s2 =	sld [smem:$0x3FD0];
	(tm) =	ssettm $0x1  }
0x91: {  	s18 =	sld [smem:$0x3FFB];
	_ =	sdelay $0x3  }
0x92: {  	_ =	strace s18  }
0x93: {  	s3 =	sld [smem:$0x3FFC];
	_ =	sdelay $0x3  }
0x94: {  	_ =	strace s3  }
0x95: {  	s3 =	sld [smem:$0x3FFD];
	_ =	sdelay $0x3  }
0x96: {  	_ =	strace s3  }
0x97: {  	_ =	strace $0x8FFFFFFF  }
0x98: {  	s19 =	sld [smem:$0x3FDB];
	_ =	sdelay $0x1  }
0x99: {  	s4 =	simm.s32 $_scs_section_size  }
0x9a: {  	s5 =	simm.s32 $_size__tile_overlayer_lowered;
	s6 =	simm.s32 $_tile_overlayer_lowered  }
0x9b: {  	s22 =	simm.s32 $0x1BFF;
	s21 =	sshll.u32 s6, $0x1;
	s3 =	sadd.s32 s4, s19  }
0x9c: {  	s7 =	simm.s32 $0x0;
	s20 =	sshll.u32 s5, $0x1;
	s5 =	sadd.s32 s21, s3  }
0x9d: {  	[timem:s7], [sflag:s22] =	dma.local [hbm:s5], s20  }
0x9e: {  	_ =	swait.ge [sflag:s22], s20  }
0x9f: {  	s4 =	ssub.s32 $0x0, s20;
	[sflag:s22] =	ssyncset.done $0x0  }
0xa0: {  	[sflag:s22] =	ssyncadd.s32 s4;
	_ =	sdelay $0x1  }
0xa1: {  	s23 =	simm.s32 $0x1B8B  }
0xa2: {  	_ =	swait.ge [sflag:s23], $0x1  }
0xa3: {  	[sflag:s23] =	ssyncset.done $0x0  }
0xa4: {  	s25 =	simm.s32 $0x1B8E;
	s24 =	sld [smem:$0x3FFE];
	[sflag:s23] =	ssyncadd.s32 $0xFFFFFFFF  }
0xa5: {  	s26 =	simm.s32 $execute0_lowered;
	[smem:$0x3FD2] =	sst s25  }
0xa6: {  	s5 =	sshll.u32 s26, $0x1;
	_ =	strace $0x80000046;
	[dreg:$0x1] =	wrdreg $0xFFFFFFFF  }
0xa7: {  	s28 =	simm.s32 $_size_execute0_lowered;
	s3 =	sadd.s32 s3, s5;
	[dreg:$0x0] =	wrdreg $0x0  }
0xa8: {  	s5 =	sshll.u32 s28, $0x1;
	[dreg:$0x2] =	wrdreg s3  }
0xa9: {  	[dreg:$0x3] =	wrdreg s5  }
0xaa: {  	[dreg:$0x4] =	wrdreg $0xC0  }
0xab: {  	_ =	task [dreg:s7], $0x5FFFF  }
0xac: {  	[dreg:$0x1] =	wrdreg $0xFFFFFFFF  }
0xad: {  	[dreg:$0x0] =	wrdreg $0x60  }
0xae: {  	[dreg:$0x2] =	wrdreg s24  }
0xaf: {  	[dreg:$0x3] =	wrdreg s2  }
0xb0: {  	[dreg:$0x4] =	wrdreg $0x9  }
0xb1: {  	_ =	task.clear_ibuf [dreg:s7], $0x5FFFF;
	_ =	strace $0x90000046  }
0xb2: {  	s29 =	simm.s32 $0x9;
	_ =	strace $0x80000048  }
0xb3: {  	_ =	swait.ge [sflag:s29], $0x1  }
0xb4: {  	[sflag:s29] =	ssyncadd.s32 $0xFFFFFFFF  }
0xb5: {  	_ =	strace $0x90000048  }
0xb6: {  	_ =	sfence  }
0xb7: {  	s30 =	sld [smem:$0x0];
	_ =	sdelay $0x2  }
0xb8: {  	s31 =	sshll.u32 s1, $0xD;
	s1 =	sshrl.u32 s1, $0x2  }
0xb9: {  	s3 =	sand.u32 $0x4000, s31;
	s1 =	sadd.s32 s1, s30  }
0xba: {  	s0 =	sor.u32 s3, s0;
	s1 =	sshll.u32 s1, $0x11  }
0xbb: {  	s0 =	sor.u32 s1, s0  }
0xbc: {  	s0 =	sadd.s32 $0x8F2B, s0  }
0xbd: {  	[sflag:s0] =	ssyncadd.remote.s32 $0x1  }
0xbe: {  	_ =	sfence.sel $0xFFFF  }
0xbf: {  	[dreg:$0x0] =	wrdreg $0xFFFFFFFF;
	(pc) =	sbr.abs _section_cstart, $3  }
0xc0: {  	[dreg:$0x1] =	wrdreg $0xFFFFFFFF  }
0xc1: {  	_ =	task.clear_ibuf [dreg:s7], $0x2FFFF;
	_ =	strace $0x9FFFFFFF  }
0xc2: {  	(tm) =	ssettm $0x7FFFFFFF  }
0xc3: {  	_ =	shalt  }
tec
execute0_lowered:
.L_overlay_start_1:
0x0: {  	(tag) =	ssettag $0x1  }
0x1: {  	s0 =	rddreg [dreg:$0x0]  }
0x2: {  	s1 =	rddreg [dreg:$0x1]  }
0x3: {  	s3 =	srdreg.scid;
	s10 =	stileid.u32  }
0x4: {  	s2 =	simm.s32 $0x0;
	s28 =	simm.s32 $0xE800;
	s26 =	smul.u32 $0x640000, s10  }
0x5: {  	s30 =	simm.s32 $0x10800;
	s4 =	sand.u32 $0x1, s3;
	s15 =	smul.u32 $0x19000, s10  }
0x6: {  	s29 =	simm.s32 $0x14800;
	s25 =	sshll.u32 s10, $0x1;
	s12 =	smul.u32 $0x320000, s4  }
0x7: {  	s5 =	sor.u32 s4, s25;
	s7 =	ssub.s32 $0x2, s4;
	s4 =	smul.u32 $0xC800, s4  }
0x8: {  	s31 =	simm.s32 $0x18800;
	[smem:$0x7FF] =	sst s2;
	s6 =	smul.u32 $0xC800, s5  }
0x9: {  	s3 =	sadd.s32 $0xF74C00, s0;
	s0 =	sadd.s32 $0x800, s0;
	s8 =	smul.u32 $0x1900, s5  }
0xa: {  	_ =	strace $0x80000047;
	s9 =	sshrl.u32 s7, $0x1;
	s5 =	smul.u32 $0x320000, s5  }
0xb: {  	s7 =	ssub.s32 s7, s9;
	s21 =	sadd.s32 s12, s26;
	s8 =	sadd.s32 s0, s8  }
0xc: {  	s6 =	sshrl.u32 s6, $0x3;
	s5 =	sshrl.u32 s5, $0x3;
	s22 =	smax.u32 s7, $0x1  }
0xd: {  	s23 =	sshrl.u32 s21, $0x3;
	[dreg:$0x3] =	wrdreg s8;
	s0 =	sadd.s32 s0, s6  }
0xe: {  	s11 =	sadd.s32 s1, s5;
	[dreg:$0xd] =	wrdreg s22;
	s5 =	sadd.s32 s23, s1  }
0xf: {  	s10 =	simm.s32 $0x6;
	s0 =	sadd.s32 $0xC80, s0;
	[dreg:$0xe] =	wrdreg s5  }
0x10: {  	s4 =	sadd.s32 s4, s15;
	s13 =	sadd.s32 $0x30000, s11;
	[dreg:$0x4] =	wrdreg s0  }
0x11: {  	s9 =	simm.s32 $0x5;
	s14 =	sadd.s32 $0x30800, s11;
	[dreg:$0x5] =	wrdreg s13  }
0x12: {  	s12 =	simm.s32 $0x8;
	s16 =	sadd.s32 $0x31000, s11;
	[dreg:$0x6] =	wrdreg s14  }
0x13: {  	s4 =	sshll.u32 s4, $0x3;
	s17 =	sadd.s32 $0x31800, s11;
	[dreg:$0x7] =	wrdreg s16  }
0x14: {  	s7 =	simm.s32 $0x3;
	s18 =	sadd.s32 $0x62000, s11;
	[dreg:$0x8] =	wrdreg s17  }
0x15: {  	s4 =	sadd.s32 s1, s4;
	s19 =	sadd.s32 $0x62800, s11;
	[dreg:$0x9] =	wrdreg s18  }
0x16: {  	s6 =	simm.s32 $0x2;
	s20 =	sadd.s32 $0x63000, s11;
	[dreg:$0xa] =	wrdreg s19  }
0x17: {  	s8 =	simm.s32 $0x4;
	s24 =	sadd.s32 $0x1800, s4;
	[dreg:$0xb] =	wrdreg s20  }
0x18: {  	s25 =	sadd.s32 $0x1000, s4;
	s26 =	sadd.s32 $0x800, s4;
	[dreg:$0xf] =	wrdreg s24  }
0x19: {  	s22 =	sadd.s32 $0x32800, s4;
	s5 =	simm.s32 $0x1;
	[dreg:$0x10] =	wrdreg s25  }
0x1a: {  	s0 =	sadd.s32 $0x63800, s11;
	[dreg:$0x11] =	wrdreg s26;
	s20 =	sadd.s32 $0x33800, s4  }
0x1b: {  	s25 =	simm.s32 $0x80;
	s26 =	simm.s32 $0xC800;
	s11 =	simm.s32 $0x7  }
0x1c: {  	s14 =	simm.s32 $0x0;
	[dreg:$0xc] =	wrdreg s0;
	s0 =	sadd.s32 $0x190000, s21  }
0x1d: {  	s21 =	sadd.s32 $0x33000, s4;
	s4 =	simm.s32 $0x1A800;
	s0 =	sshrl.u32 s0, $0x3  }
0x1e: {  	s19 =	sadd.s32 s0, s1;
	s0 =	simm.s32 $0x12800;
	s1 =	simm.s32 $0x16800  }
.LBB2_1:
0x1f: {  	s13 =	rddreg [dreg:$0x3]  }
0x20: {  	[tilespmem:s2], [sflag:$0x9] =	stream.linear.gather [hbm4b:s13+s2], $0x6400, $0x38;
	[tilespmem:$0x1C800] =	vst v63  }
0x21: {  	s18 =	rddreg [dreg:$0x4];
	s15 =	simm.s32 $0x6400;
	s23 =	simm.s32 $0x9  }
0x22: {  	[tilespmem:s15], [sflag:$0xA] =	stream.linear.gather [hbm4b:s18+s2], $0x6400, $0x38;
	[tilespmem:$0x1C800] =	vst v63  }
0x23: {  	_ =	swait.ge [sflag:s23], $0x6400  }
0x24: {  	[sflag:s23] =	ssyncset.done $0x0  }
0x25: {  	[sflag:s23] =	ssyncadd.s32 $0xFFFF9C00  }
0x26: {  	[tilespmem:s26], [sflag:$0x1] =	stream.indirect.gather [hbm4b:s3+s25], $0x40, s2, s25, $0xb8;
	[tilespmem:$0x1C800] =	vst v63  }
0x27: {  	_ = 	snop  }
0x28: {  	[tilespmem:s28], [sflag:$0x1] =	stream.indirect.gather [hbm4b:s3+s25], $0x40, s25, s25, $0xb8;
	[tilespmem:$0x1C800] =	vst v63  }
0x29: {  	s24 =	simm.s32 $0x100  }
0x2a: {  	[tilespmem:s30], [sflag:$0x2] =	stream.indirect.gather [hbm4b:s3+s25], $0x40, s24, s25, $0xb8;
	[tilespmem:$0x1C800] =	vst v63  }
0x2b: {  	s15 =	simm.s32 $0x180  }
0x2c: {  	[tilespmem:s0], [sflag:$0x2] =	stream.indirect.gather [hbm4b:s3+s25], $0x40, s15, s25, $0xb8;
	[tilespmem:$0x1C800] =	vst v63  }
0x2d: {  	s16 =	simm.s32 $0x200  }
0x2e: {  	[tilespmem:s29], [sflag:$0x3] =	stream.indirect.gather [hbm4b:s3+s25], $0x40, s16, s25, $0xb8;
	[tilespmem:$0x1C800] =	vst v63  }
0x2f: {  	s17 =	simm.s32 $0x280  }
0x30: {  	[tilespmem:s1], [sflag:$0x3] =	stream.indirect.gather [hbm4b:s3+s25], $0x40, s17, s25, $0xb8;
	[tilespmem:$0x1C800] =	vst v63  }
0x31: {  	s18 =	simm.s32 $0x300  }
0x32: {  	[tilespmem:s31], [sflag:$0x4] =	stream.indirect.gather [hbm4b:s3+s25], $0x40, s18, s25, $0xb8;
	[tilespmem:$0x1C800] =	vst v63  }
0x33: {  	s23 =	simm.s32 $0x380  }
0x34: {  	[tilespmem:s4], [sflag:$0x4] =	stream.indirect.gather [hbm4b:s3+s25], $0x40, s23, s25, $0xb8;
	[tilespmem:$0x1C800] =	vst v63  }
0x35: {  	_ =	swait.ge [sflag:s5], $0x4000  }
0x36: {  	[sflag:s5] =	ssyncset.done $0x0  }
0x37: {  	s15 =	rddreg [dreg:$0xe];
	[sflag:s5] =	ssyncadd.s32 $0xFFFFC000  }
0x38: {  	[hbm4b:s15+s2] =	stream.linear.scatter [tilespmem:s26], [sflag:$0x5], $0x4000, $0x38;
	[tilespmem:$0x1C800] =	vst v63  }
0x39: {  	_ =	swait.ge [sflag:s6], $0x4000  }
0x3a: {  	[sflag:s6] =	ssyncset.done $0x0  }
0x3b: {  	s18 =	rddreg [dreg:$0x11];
	[sflag:s6] =	ssyncadd.s32 $0xFFFFC000  }
0x3c: {  	[hbm4b:s18+s2] =	stream.linear.scatter [tilespmem:s30], [sflag:$0x6], $0x4000, $0x38;
	[tilespmem:$0x1C800] =	vst v63  }
0x3d: {  	_ =	swait.ge [sflag:s7], $0x4000  }
0x3e: {  	[sflag:s7] =	ssyncset.done $0x0  }
0x3f: {  	s17 =	rddreg [dreg:$0x10];
	[sflag:s7] =	ssyncadd.s32 $0xFFFFC000  }
0x40: {  	[hbm4b:s17+s2] =	stream.linear.scatter [tilespmem:s29], [sflag:$0x7], $0x4000, $0x38;
	[tilespmem:$0x1C800] =	vst v63  }
0x41: {  	_ =	swait.ge [sflag:s8], $0x4000  }
0x42: {  	[sflag:s8] =	ssyncset.done $0x0  }
0x43: {  	s16 =	rddreg [dreg:$0xf];
	[sflag:s8] =	ssyncadd.s32 $0xFFFFC000  }
0x44: {  	[hbm4b:s16+s2] =	stream.linear.scatter [tilespmem:s31], [sflag:$0x8], $0x4000, $0x38;
	[tilespmem:$0x1C800] =	vst v63  }
0x45: {  	_ =	swait.ge [sflag:s9], $0x4000  }
0x46: {  	[sflag:s9] =	ssyncset.done $0x0  }
0x47: {  	s24 =	simm.s32 $0x400;
	[sflag:s9] =	ssyncadd.s32 $0xFFFFC000  }
0x48: {  	[tilespmem:s26], [sflag:$0x1] =	stream.indirect.gather [hbm4b:s3+s25], $0x40, s24, s25, $0xb8;
	[tilespmem:$0x1C800] =	vst v63  }
0x49: {  	s23 =	simm.s32 $0x480  }
0x4a: {  	[tilespmem:s28], [sflag:$0x1] =	stream.indirect.gather [hbm4b:s3+s25], $0x40, s23, s25, $0xb8;
	[tilespmem:$0x1C800] =	vst v63  }
0x4b: {  	_ =	swait.ge [sflag:s10], $0x4000  }
0x4c: {  	[sflag:s10] =	ssyncset.done $0x0  }
0x4d: {  	s24 =	simm.s32 $0x500;
	[sflag:s10] =	ssyncadd.s32 $0xFFFFC000  }
0x4e: {  	[tilespmem:s30], [sflag:$0x2] =	stream.indirect.gather [hbm4b:s3+s25], $0x40, s24, s25, $0xb8;
	[tilespmem:$0x1C800] =	vst v63  }
0x4f: {  	s23 =	simm.s32 $0x580  }
0x50: {  	[tilespmem:s0], [sflag:$0x2] =	stream.indirect.gather [hbm4b:s3+s25], $0x40, s23, s25, $0xb8;
	[tilespmem:$0x1C800] =	vst v63  }
0x51: {  	_ =	swait.ge [sflag:s11], $0x4000  }
0x52: {  	[sflag:s11] =	ssyncset.done $0x0  }
0x53: {  	s24 =	simm.s32 $0x600;
	[sflag:s11] =	ssyncadd.s32 $0xFFFFC000  }
0x54: {  	[tilespmem:s29], [sflag:$0x3] =	stream.indirect.gather [hbm4b:s3+s25], $0x40, s24, s25, $0xb8;
	[tilespmem:$0x1C800] =	vst v63  }
0x55: {  	s23 =	simm.s32 $0x680  }
0x56: {  	[tilespmem:s1], [sflag:$0x3] =	stream.indirect.gather [hbm4b:s3+s25], $0x40, s23, s25, $0xb8;
	[tilespmem:$0x1C800] =	vst v63  }
0x57: {  	_ =	swait.ge [sflag:s12], $0x4000  }
0x58: {  	s15 =	sadd.s32 $0x2000, s15;
	s13 =	sadd.s32 $0x2000, s17;
	[sflag:s12] =	ssyncset.done $0x0  }
0x59: {  	s17 =	simm.s32 $0x780;
	s24 =	simm.s32 $0x700;
	[sflag:s12] =	ssyncadd.s32 $0xFFFFC000  }
0x5a: {  	[tilespmem:s31], [sflag:$0x4] =	stream.indirect.gather [hbm4b:s3+s25], $0x40, s24, s25, $0xb8;
	[tilespmem:$0x1C800] =	vst v63  }
0x5b: {  	s16 =	sadd.s32 $0x2000, s16;
	s23 =	simm.s32 $0x1000;
	s24 =	sadd.s32 $0x2000, s18  }
.LBB2_2:
0x5c: {  	[tilespmem:s4], [sflag:$0x4] =	stream.indirect.gather [hbm4b:s3+s25], $0x40, s17, s25, $0xb8;
	[tilespmem:$0x1C800] =	vst v63  }
0x5d: {  	s17 =	smov.u32 s23  }
0x5e: {  	p0 =	sne.s32 s23, $0x17000;
	s23 =	sadd.s32 $0x1000, s23;
	_ =	swait.ge [sflag:s5], $0x4000  }
0x5f: {  	[sflag:s5] =	ssyncset.done $0x0  }
0x60: {  	[sflag:s5] =	ssyncadd.s32 $0xFFFFC000  }
0x61: {  	[hbm4b:s15+s2] =	stream.linear.scatter [tilespmem:s26], [sflag:$0x5], $0x4000, $0x38;
	[tilespmem:$0x1C800] =	vst v63  }
0x62: {  	_ =	swait.ge [sflag:s6], $0x4000  }
0x63: {  	[sflag:s6] =	ssyncset.done $0x0  }
0x64: {  	[sflag:s6] =	ssyncadd.s32 $0xFFFFC000  }
0x65: {  	[hbm4b:s24+s2] =	stream.linear.scatter [tilespmem:s30], [sflag:$0x6], $0x4000, $0x38;
	[tilespmem:$0x1C800] =	vst v63  }
0x66: {  	_ =	swait.ge [sflag:s7], $0x4000  }
0x67: {  	[sflag:s7] =	ssyncset.done $0x0  }
0x68: {  	[sflag:s7] =	ssyncadd.s32 $0xFFFFC000  }
0x69: {  	[hbm4b:s13+s2] =	stream.linear.scatter [tilespmem:s29], [sflag:$0x7], $0x4000, $0x38;
	[tilespmem:$0x1C800] =	vst v63  }
0x6a: {  	_ =	swait.ge [sflag:s8], $0x4000  }
0x6b: {  	[sflag:s8] =	ssyncset.done $0x0  }
0x6c: {  	[sflag:s8] =	ssyncadd.s32 $0xFFFFC000  }
0x6d: {  	[hbm4b:s16+s2] =	stream.linear.scatter [tilespmem:s31], [sflag:$0x8], $0x4000, $0x38;
	[tilespmem:$0x1C800] =	vst v63  }
0x6e: {  	_ =	swait.ge [sflag:s9], $0x4000  }
0x6f: {  	s17 =	sshra.s32 s17, $0x2;
	[sflag:s9] =	ssyncset.done $0x0  }
0x70: {  	s18 =	sadd.s32 $0x400, s17;
	[sflag:s9] =	ssyncadd.s32 $0xFFFFC000  }
0x71: {  	[tilespmem:s26], [sflag:$0x1] =	stream.indirect.gather [hbm4b:s3+s25], $0x40, s18, s25, $0xb8;
	[tilespmem:$0x1C800] =	vst v63  }
0x72: {  	s18 =	sadd.s32 $0x480, s17  }
0x73: {  	[tilespmem:s28], [sflag:$0x1] =	stream.indirect.gather [hbm4b:s3+s25], $0x40, s18, s25, $0xb8;
	[tilespmem:$0x1C800] =	vst v63  }
0x74: {  	_ =	swait.ge [sflag:s10], $0x4000  }
0x75: {  	[sflag:s10] =	ssyncset.done $0x0  }
0x76: {  	s18 =	sadd.s32 $0x500, s17;
	[sflag:s10] =	ssyncadd.s32 $0xFFFFC000  }
0x77: {  	[tilespmem:s30], [sflag:$0x2] =	stream.indirect.gather [hbm4b:s3+s25], $0x40, s18, s25, $0xb8;
	[tilespmem:$0x1C800] =	vst v63  }
0x78: {  	s18 =	sadd.s32 $0x580, s17  }
0x79: {  	[tilespmem:s0], [sflag:$0x2] =	stream.indirect.gather [hbm4b:s3+s25], $0x40, s18, s25, $0xb8;
	[tilespmem:$0x1C800] =	vst v63  }
0x7a: {  	_ =	swait.ge [sflag:s11], $0x4000  }
0x7b: {  	[sflag:s11] =	ssyncset.done $0x0  }
0x7c: {  	s18 =	sadd.s32 $0x600, s17;
	[sflag:s11] =	ssyncadd.s32 $0xFFFFC000  }
0x7d: {  	[tilespmem:s29], [sflag:$0x3] =	stream.indirect.gather [hbm4b:s3+s25], $0x40, s18, s25, $0xb8;
	[tilespmem:$0x1C800] =	vst v63  }
0x7e: {  	s18 =	sadd.s32 $0x680, s17  }
0x7f: {  	[tilespmem:s1], [sflag:$0x3] =	stream.indirect.gather [hbm4b:s3+s25], $0x40, s18, s25, $0xb8;
	[tilespmem:$0x1C800] =	vst v63  }
.Ltmp0:
0x80: {  	_ =	swait.ge [sflag:s12], $0x4000;
	(pc) =	sbr.rel @p0 .LBB2_2-.Ltmp0, $4  }
0x81: {  	s24 =	sadd.s32 $0x2000, s24;
	[sflag:s12] =	ssyncset.done $0x0  }
0x82: {  	s13 =	sadd.s32 $0x2000, s13;
	s18 =	sadd.s32 $0x700, s17;
	[sflag:s12] =	ssyncadd.s32 $0xFFFFC000  }
0x83: {  	[tilespmem:s31], [sflag:$0x4] =	stream.indirect.gather [hbm4b:s3+s25], $0x40, s18, s25, $0xb8;
	[tilespmem:$0x1C800] =	vst v63  }
0x84: {  	s15 =	sadd.s32 $0x2000, s15;
	s16 =	sadd.s32 $0x2000, s16;
	s17 =	sadd.s32 $0x780, s17  }
0x85: {  	[tilespmem:s4], [sflag:$0x4] =	stream.indirect.gather [hbm4b:s3+s25], $0x40, s17, s25, $0xb8;
	[tilespmem:$0x1C800] =	vst v63  }
0x86: {  	s13 =	simm.s32 $0xA  }
0x87: {  	_ =	swait.ge [sflag:s13], $0x6400  }
0x88: {  	[sflag:s13] =	ssyncset.done $0x0  }
0x89: {  	[sflag:s13] =	ssyncadd.s32 $0xFFFF9C00  }
0x8a: {  	_ =	swait.ge [sflag:s5], $0x4000  }
0x8b: {  	[sflag:s5] =	ssyncset.done $0x0  }
0x8c: {  	s23 =	simm.s32 $0x0;
	s15 =	rddreg [dreg:$0x5];
	[sflag:s5] =	ssyncadd.s32 $0xFFFFC000  }
0x8d: {  	[hbm4b:s15+s23] =	stream.linear.scatter [tilespmem:s26], [sflag:$0x5], $0x4000, $0x38;
	[tilespmem:$0x1C800] =	vst v63  }
0x8e: {  	_ =	swait.ge [sflag:s6], $0x4000  }
0x8f: {  	[sflag:s6] =	ssyncset.done $0x0  }
0x90: {  	s24 =	rddreg [dreg:$0x6];
	[sflag:s6] =	ssyncadd.s32 $0xFFFFC000  }
0x91: {  	[hbm4b:s24+s23] =	stream.linear.scatter [tilespmem:s30], [sflag:$0x6], $0x4000, $0x38;
	[tilespmem:$0x1C800] =	vst v63  }
0x92: {  	_ =	swait.ge [sflag:s7], $0x4000  }
0x93: {  	[sflag:s7] =	ssyncset.done $0x0  }
0x94: {  	s16 =	rddreg [dreg:$0x7];
	[sflag:s7] =	ssyncadd.s32 $0xFFFFC000  }
0x95: {  	[hbm4b:s16+s23] =	stream.linear.scatter [tilespmem:s29], [sflag:$0x7], $0x4000, $0x38;
	[tilespmem:$0x1C800] =	vst v63  }
0x96: {  	_ =	swait.ge [sflag:s8], $0x4000  }
0x97: {  	[sflag:s8] =	ssyncset.done $0x0  }
0x98: {  	s17 =	rddreg [dreg:$0x8];
	[sflag:s8] =	ssyncadd.s32 $0xFFFFC000  }
0x99: {  	[hbm4b:s17+s23] =	stream.linear.scatter [tilespmem:s31], [sflag:$0x8], $0x4000, $0x38;
	[tilespmem:$0x1C800] =	vst v63  }
0x9a: {  	_ =	swait.ge [sflag:s9], $0x4000  }
0x9b: {  	[sflag:s9] =	ssyncset.done $0x0  }
0x9c: {  	s18 =	simm.s32 $0x6400;
	[sflag:s9] =	ssyncadd.s32 $0xFFFFC000  }
0x9d: {  	[tilespmem:s26], [sflag:$0x1] =	stream.indirect.gather [hbm4b:s3+s25], $0x40, s18, s25, $0xb8;
	[tilespmem:$0x1C800] =	vst v63  }
0x9e: {  	s23 =	simm.s32 $0x6480  }
0x9f: {  	[tilespmem:s28], [sflag:$0x1] =	stream.indirect.gather [hbm4b:s3+s25], $0x40, s23, s25, $0xb8;
	[tilespmem:$0x1C800] =	vst v63  }
0xa0: {  	_ =	swait.ge [sflag:s10], $0x4000  }
0xa1: {  	[sflag:s10] =	ssyncset.done $0x0  }
0xa2: {  	s24 =	simm.s32 $0x6500;
	[sflag:s10] =	ssyncadd.s32 $0xFFFFC000  }
0xa3: {  	[tilespmem:s30], [sflag:$0x2] =	stream.indirect.gather [hbm4b:s3+s25], $0x40, s24, s25, $0xb8;
	[tilespmem:$0x1C800] =	vst v63  }
0xa4: {  	s15 =	simm.s32 $0x6580  }
0xa5: {  	[tilespmem:s0], [sflag:$0x2] =	stream.indirect.gather [hbm4b:s3+s25], $0x40, s15, s25, $0xb8;
	[tilespmem:$0x1C800] =	vst v63  }
0xa6: {  	_ =	swait.ge [sflag:s11], $0x4000  }
0xa7: {  	[sflag:s11] =	ssyncset.done $0x0  }
0xa8: {  	s16 =	simm.s32 $0x6600;
	[sflag:s11] =	ssyncadd.s32 $0xFFFFC000  }
0xa9: {  	[tilespmem:s29], [sflag:$0x3] =	stream.indirect.gather [hbm4b:s3+s25], $0x40, s16, s25, $0xb8;
	[tilespmem:$0x1C800] =	vst v63  }
0xaa: {  	s17 =	simm.s32 $0x6680  }
0xab: {  	[tilespmem:s1], [sflag:$0x3] =	stream.indirect.gather [hbm4b:s3+s25], $0x40, s17, s25, $0xb8;
	[tilespmem:$0x1C800] =	vst v63  }
0xac: {  	_ =	swait.ge [sflag:s12], $0x4000  }
0xad: {  	[sflag:s12] =	ssyncset.done $0x0  }
0xae: {  	s18 =	simm.s32 $0x6700;
	[sflag:s12] =	ssyncadd.s32 $0xFFFFC000  }
0xaf: {  	[tilespmem:s31], [sflag:$0x4] =	stream.indirect.gather [hbm4b:s3+s25], $0x40, s18, s25, $0xb8;
	[tilespmem:$0x1C800] =	vst v63  }
0xb0: {  	s23 =	simm.s32 $0x6780  }
0xb1: {  	[tilespmem:s4], [sflag:$0x4] =	stream.indirect.gather [hbm4b:s3+s25], $0x40, s23, s25, $0xb8;
	[tilespmem:$0x1C800] =	vst v63  }
0xb2: {  	_ =	swait.ge [sflag:s5], $0x4000  }
0xb3: {  	[sflag:s5] =	ssyncset.done $0x0  }
0xb4: {  	[sflag:s5] =	ssyncadd.s32 $0xFFFFC000  }
0xb5: {  	[hbm4b:s19+s2] =	stream.linear.scatter [tilespmem:s26], [sflag:$0x5], $0x4000, $0x38;
	[tilespmem:$0x1C800] =	vst v63  }
0xb6: {  	_ =	swait.ge [sflag:s6], $0x4000  }
0xb7: {  	[sflag:s6] =	ssyncset.done $0x0  }
0xb8: {  	[sflag:s6] =	ssyncadd.s32 $0xFFFFC000  }
0xb9: {  	[hbm4b:s22+s2] =	stream.linear.scatter [tilespmem:s30], [sflag:$0x6], $0x4000, $0x38;
	[tilespmem:$0x1C800] =	vst v63  }
0xba: {  	_ =	swait.ge [sflag:s7], $0x4000  }
0xbb: {  	[sflag:s7] =	ssyncset.done $0x0  }
0xbc: {  	[sflag:s7] =	ssyncadd.s32 $0xFFFFC000  }
0xbd: {  	[hbm4b:s21+s2] =	stream.linear.scatter [tilespmem:s29], [sflag:$0x7], $0x4000, $0x38;
	[tilespmem:$0x1C800] =	vst v63  }
0xbe: {  	_ =	swait.ge [sflag:s8], $0x4000  }
0xbf: {  	[sflag:s8] =	ssyncset.done $0x0  }
0xc0: {  	[sflag:s8] =	ssyncadd.s32 $0xFFFFC000  }
0xc1: {  	[hbm4b:s20+s2] =	stream.linear.scatter [tilespmem:s31], [sflag:$0x8], $0x4000, $0x38;
	[tilespmem:$0x1C800] =	vst v63  }
0xc2: {  	_ =	swait.ge [sflag:s9], $0x4000  }
0xc3: {  	[sflag:s9] =	ssyncset.done $0x0  }
0xc4: {  	s24 =	simm.s32 $0x6800;
	[sflag:s9] =	ssyncadd.s32 $0xFFFFC000  }
0xc5: {  	[tilespmem:s26], [sflag:$0x1] =	stream.indirect.gather [hbm4b:s3+s25], $0x40, s24, s25, $0xb8;
	[tilespmem:$0x1C800] =	vst v63  }
0xc6: {  	s15 =	simm.s32 $0x6880  }
0xc7: {  	[tilespmem:s28], [sflag:$0x1] =	stream.indirect.gather [hbm4b:s3+s25], $0x40, s15, s25, $0xb8;
	[tilespmem:$0x1C800] =	vst v63  }
0xc8: {  	_ =	swait.ge [sflag:s10], $0x4000  }
0xc9: {  	[sflag:s10] =	ssyncset.done $0x0  }
0xca: {  	s16 =	simm.s32 $0x6900;
	[sflag:s10] =	ssyncadd.s32 $0xFFFFC000  }
0xcb: {  	[tilespmem:s30], [sflag:$0x2] =	stream.indirect.gather [hbm4b:s3+s25], $0x40, s16, s25, $0xb8;
	[tilespmem:$0x1C800] =	vst v63  }
0xcc: {  	s17 =	simm.s32 $0x6980  }
0xcd: {  	[tilespmem:s0], [sflag:$0x2] =	stream.indirect.gather [hbm4b:s3+s25], $0x40, s17, s25, $0xb8;
	[tilespmem:$0x1C800] =	vst v63  }
0xce: {  	_ =	swait.ge [sflag:s11], $0x4000  }
0xcf: {  	[sflag:s11] =	ssyncset.done $0x0  }
0xd0: {  	s18 =	simm.s32 $0x6A00;
	[sflag:s11] =	ssyncadd.s32 $0xFFFFC000  }
0xd1: {  	[tilespmem:s29], [sflag:$0x3] =	stream.indirect.gather [hbm4b:s3+s25], $0x40, s18, s25, $0xb8;
	[tilespmem:$0x1C800] =	vst v63  }
0xd2: {  	s23 =	simm.s32 $0x6A80  }
0xd3: {  	[tilespmem:s1], [sflag:$0x3] =	stream.indirect.gather [hbm4b:s3+s25], $0x40, s23, s25, $0xb8;
	[tilespmem:$0x1C800] =	vst v63  }
0xd4: {  	_ =	swait.ge [sflag:s12], $0x4000  }
0xd5: {  	s13 =	sadd.s32 $0x2000, s21;
	s24 =	simm.s32 $0x6B00;
	[sflag:s12] =	ssyncset.done $0x0  }
0xd6: {  	s15 =	sadd.s32 $0x2000, s19;
	s16 =	sadd.s32 $0x2000, s20;
	[sflag:s12] =	ssyncadd.s32 $0xFFFFC000  }
0xd7: {  	[tilespmem:s31], [sflag:$0x4] =	stream.indirect.gather [hbm4b:s3+s25], $0x40, s24, s25, $0xb8;
	[tilespmem:$0x1C800] =	vst v63  }
0xd8: {  	s17 =	simm.s32 $0x6B80;
	s23 =	simm.s32 $0x1000;
	s24 =	sadd.s32 $0x2000, s22  }
.LBB2_4:
0xd9: {  	[tilespmem:s4], [sflag:$0x4] =	stream.indirect.gather [hbm4b:s3+s25], $0x40, s17, s25, $0xb8;
	[tilespmem:$0x1C800] =	vst v63  }
0xda: {  	s17 =	smov.u32 s23  }
0xdb: {  	p0 =	sne.s32 s23, $0x17000;
	s23 =	sadd.s32 $0x1000, s23;
	_ =	swait.ge [sflag:s5], $0x4000  }
0xdc: {  	[sflag:s5] =	ssyncset.done $0x0  }
0xdd: {  	[sflag:s5] =	ssyncadd.s32 $0xFFFFC000  }
0xde: {  	[hbm4b:s15+s2] =	stream.linear.scatter [tilespmem:s26], [sflag:$0x5], $0x4000, $0x38;
	[tilespmem:$0x1C800] =	vst v63  }
0xdf: {  	_ =	swait.ge [sflag:s6], $0x4000  }
0xe0: {  	[sflag:s6] =	ssyncset.done $0x0  }
0xe1: {  	[sflag:s6] =	ssyncadd.s32 $0xFFFFC000  }
0xe2: {  	[hbm4b:s24+s2] =	stream.linear.scatter [tilespmem:s30], [sflag:$0x6], $0x4000, $0x38;
	[tilespmem:$0x1C800] =	vst v63  }
0xe3: {  	_ =	swait.ge [sflag:s7], $0x4000  }
0xe4: {  	[sflag:s7] =	ssyncset.done $0x0  }
0xe5: {  	[sflag:s7] =	ssyncadd.s32 $0xFFFFC000  }
0xe6: {  	[hbm4b:s13+s2] =	stream.linear.scatter [tilespmem:s29], [sflag:$0x7], $0x4000, $0x38;
	[tilespmem:$0x1C800] =	vst v63  }
0xe7: {  	_ =	swait.ge [sflag:s8], $0x4000  }
0xe8: {  	[sflag:s8] =	ssyncset.done $0x0  }
0xe9: {  	[sflag:s8] =	ssyncadd.s32 $0xFFFFC000  }
0xea: {  	[hbm4b:s16+s2] =	stream.linear.scatter [tilespmem:s31], [sflag:$0x8], $0x4000, $0x38;
	[tilespmem:$0x1C800] =	vst v63  }
0xeb: {  	_ =	swait.ge [sflag:s9], $0x4000  }
0xec: {  	s17 =	sshra.s32 s17, $0x2;
	[sflag:s9] =	ssyncset.done $0x0  }
0xed: {  	s18 =	sadd.s32 $0x6800, s17;
	[sflag:s9] =	ssyncadd.s32 $0xFFFFC000  }
0xee: {  	[tilespmem:s26], [sflag:$0x1] =	stream.indirect.gather [hbm4b:s3+s25], $0x40, s18, s25, $0xb8;
	[tilespmem:$0x1C800] =	vst v63  }
0xef: {  	s18 =	sadd.s32 $0x6880, s17  }
0xf0: {  	[tilespmem:s28], [sflag:$0x1] =	stream.indirect.gather [hbm4b:s3+s25], $0x40, s18, s25, $0xb8;
	[tilespmem:$0x1C800] =	vst v63  }
0xf1: {  	_ =	swait.ge [sflag:s10], $0x4000  }
0xf2: {  	[sflag:s10] =	ssyncset.done $0x0  }
0xf3: {  	s18 =	sadd.s32 $0x6900, s17;
	[sflag:s10] =	ssyncadd.s32 $0xFFFFC000  }
0xf4: {  	[tilespmem:s30], [sflag:$0x2] =	stream.indirect.gather [hbm4b:s3+s25], $0x40, s18, s25, $0xb8;
	[tilespmem:$0x1C800] =	vst v63  }
0xf5: {  	s18 =	sadd.s32 $0x6980, s17  }
0xf6: {  	[tilespmem:s0], [sflag:$0x2] =	stream.indirect.gather [hbm4b:s3+s25], $0x40, s18, s25, $0xb8;
	[tilespmem:$0x1C800] =	vst v63  }
0xf7: {  	_ =	swait.ge [sflag:s11], $0x4000  }
0xf8: {  	[sflag:s11] =	ssyncset.done $0x0  }
0xf9: {  	s18 =	sadd.s32 $0x6A00, s17;
	[sflag:s11] =	ssyncadd.s32 $0xFFFFC000  }
0xfa: {  	[tilespmem:s29], [sflag:$0x3] =	stream.indirect.gather [hbm4b:s3+s25], $0x40, s18, s25, $0xb8;
	[tilespmem:$0x1C800] =	vst v63  }
0xfb: {  	s18 =	sadd.s32 $0x6A80, s17  }
0xfc: {  	[tilespmem:s1], [sflag:$0x3] =	stream.indirect.gather [hbm4b:s3+s25], $0x40, s18, s25, $0xb8;
	[tilespmem:$0x1C800] =	vst v63  }
.Ltmp1:
0xfd: {  	_ =	swait.ge [sflag:s12], $0x4000;
	(pc) =	sbr.rel @p0 .LBB2_4-.Ltmp1, $4  }
0xfe: {  	s24 =	sadd.s32 $0x2000, s24;
	[sflag:s12] =	ssyncset.done $0x0  }
0xff: {  	s13 =	sadd.s32 $0x2000, s13;
	s18 =	sadd.s32 $0x6B00, s17;
	[sflag:s12] =	ssyncadd.s32 $0xFFFFC000  }
0x100: {  	[tilespmem:s31], [sflag:$0x4] =	stream.indirect.gather [hbm4b:s3+s25], $0x40, s18, s25, $0xb8;
	[tilespmem:$0x1C800] =	vst v63  }
0x101: {  	s15 =	sadd.s32 $0x2000, s15;
	s16 =	sadd.s32 $0x2000, s16;
	s17 =	sadd.s32 $0x6B80, s17  }
0x102: {  	[tilespmem:s4], [sflag:$0x4] =	stream.indirect.gather [hbm4b:s3+s25], $0x40, s17, s25, $0xb8;
	[tilespmem:$0x1C800] =	vst v63  }
0x103: {  	_ =	swait.ge [sflag:s5], $0x4000  }
0x104: {  	[sflag:s5] =	ssyncset.done $0x0  }
0x105: {  	s13 =	rddreg [dreg:$0x9];
	[sflag:s5] =	ssyncadd.s32 $0xFFFFC000  }
0x106: {  	[hbm4b:s13+s2] =	stream.linear.scatter [tilespmem:s26], [sflag:$0x5], $0x4000, $0x38;
	[tilespmem:$0x1C800] =	vst v63  }
0x107: {  	_ =	swait.ge [sflag:s6], $0x4000  }
0x108: {  	[sflag:s6] =	ssyncset.done $0x0  }
0x109: {  	s17 =	rddreg [dreg:$0xa];
	[sflag:s6] =	ssyncadd.s32 $0xFFFFC000  }
0x10a: {  	[hbm4b:s17+s2] =	stream.linear.scatter [tilespmem:s30], [sflag:$0x6], $0x4000, $0x38;
	[tilespmem:$0x1C800] =	vst v63  }
0x10b: {  	_ =	swait.ge [sflag:s7], $0x4000  }
0x10c: {  	[sflag:s7] =	ssyncset.done $0x0  }
0x10d: {  	s18 =	rddreg [dreg:$0xb];
	[sflag:s7] =	ssyncadd.s32 $0xFFFFC000  }
0x10e: {  	[hbm4b:s18+s2] =	stream.linear.scatter [tilespmem:s29], [sflag:$0x7], $0x4000, $0x38;
	[tilespmem:$0x1C800] =	vst v63  }
0x10f: {  	_ =	swait.ge [sflag:s8], $0x4000  }
0x110: {  	[sflag:s8] =	ssyncset.done $0x0  }
0x111: {  	s23 =	rddreg [dreg:$0xc];
	[sflag:s8] =	ssyncadd.s32 $0xFFFFC000  }
0x112: {  	[hbm4b:s23+s2] =	stream.linear.scatter [tilespmem:s31], [sflag:$0x8], $0x4000, $0x38;
	[tilespmem:$0x1C800] =	vst v63  }
0x113: {  	_ =	swait.ge [sflag:s9], $0x4000  }
0x114: {  	[sflag:s9] =	ssyncset.done $0x0  }
0x115: {  	[sflag:s9] =	ssyncadd.s32 $0xFFFFC000  }
0x116: {  	_ =	swait.ge [sflag:s10], $0x4000  }
0x117: {  	[sflag:s10] =	ssyncset.done $0x0  }
0x118: {  	[sflag:s10] =	ssyncadd.s32 $0xFFFFC000  }
0x119: {  	_ =	swait.ge [sflag:s11], $0x4000  }
0x11a: {  	[sflag:s11] =	ssyncset.done $0x0  }
0x11b: {  	[sflag:s11] =	ssyncadd.s32 $0xFFFFC000  }
0x11c: {  	_ =	swait.ge [sflag:s12], $0x4000  }
0x11d: {  	s14 =	sadd.s32 $0x1, s14;
	s24 =	rddreg [dreg:$0xd]  }
0x11e: {  	p0 =	sne.s32 s14, s24  }
.Ltmp2:
0x11f: {  	_ = 	snop;
	(pc) =	sbr.rel @p0 .LBB2_1-.Ltmp2, $3  }
0x120: {  	_ =	sdelay $0x1  }
0x121: {  	[sflag:s12] =	ssyncset.done $0x0  }
0x122: {  	[sflag:s12] =	ssyncadd.s32 $0xFFFFC000  }
0x123: {  	_ =	sfence.sel $0x180000  }
0x124: {  	[bflag:$0x0] =	sbarrier.arrive $0xFFFF  }
0x125: {  	_ =	strace $0x90000047  }
0x126: {  	s0 =	stileid.u32;
	[bflag:$0x2] =	sbarrier.arrive $0xFFFF  }
0x127: {  	p0 =	sne.s32 s0, $0x0;
	s0 =	rddreg [dreg:$0x2]  }
0x128: {  	s0 =	sadd.s32 @!p0 $0x100000, s0  }
0x129: {  	[sflag:s0] =	ssyncadd.tile.s32 @!p0 $0x1;
	_ =	shalt  }
.Lfunc_end2:
_tile_overlayer_lowered:
.L_overlay_start_2:
0x12a: {  	(tag) =	ssettag $0x2  }
0x12b: {  	s0 =	rddreg [dreg:$0x0];
	s2 =	stileid.u32  }
0x12c: {  	s1 =	rddreg [dreg:$0x1];
	p0 =	sne.s32 s2, $0x0  }
0x12d: {  	s3 =	rddreg [dreg:$0x2];
	[bflag:$0x3] =	sbarrier.arrive $0xFFFF;
	s2 =	simm.s32 @!p0 $0x1C0B  }
0x12e: {  	[timem:s3], [sflag:s2] =	dma.local @!p0 [hbm:s0], s1  }
0x12f: {  	s0 =	simm.s32 @!p0 $0xB  }
0x130: {  	_ =	swait.ge @!p0 [sflag:s0], s1  }
0x131: {  	s1 =	ssub.s32 @!p0 $0x0, s1;
	[sflag:s0] =	ssyncset.done @!p0 $0x0  }
0x132: {  	[sflag:s0] =	ssyncadd.s32 @!p0 s1  }
0x133: {  	[bflag:$0x3] =	sbarrier.arrive $0xFFFF  }
0x134: {  	_ =	shalt  }

// kernel: sparse-core-data-format-call.cloned.1.call-start
scs
called_computation_lowered:
.L_overlay_start_0:
0x0: {  	s2 =	sld [smem:$0x3FD9]  }
0x1: {  	s3 =	sld [smem:$0x3FFE];
	_ =	sdelay $0x1  }
0x2: {  	s1 =	srdreg.scid  }
0x3: {  	s0 =	sand.u32 $0x1, s1  }
0x4: {  	s18 =	sshll.u32 s0, $0xA;
	s2 =	sadd.s32 s3, s2  }
0x5: {  	s2 =	sadd.s32 s2, s18  }
0x6: {  	[smem:$0x3FC6] =	sst s2  }
0x7: {  	_ = 	snop  }
0x8: {  	s2 =	sld [smem:$0x3FD0];
	(tm) =	ssettm $0x1  }
0x9: {  	s19 =	sld [smem:$0x3FFB];
	_ =	sdelay $0x3  }
0xa: {  	_ =	strace s19  }
0xb: {  	s3 =	sld [smem:$0x3FFC];
	_ =	sdelay $0x3  }
0xc: {  	_ =	strace s3  }
0xd: {  	s3 =	sld [smem:$0x3FFD];
	_ =	sdelay $0x3  }
0xe: {  	_ =	strace s3  }
0xf: {  	_ =	strace $0x8FFFFFFF  }
0x10: {  	s20 =	sld [smem:$0x3FDB];
	_ =	sdelay $0x1  }
0x11: {  	s4 =	simm.s32 $_scs_section_size  }
0x12: {  	s5 =	simm.s32 $_size__tile_overlayer_lowered;
	s6 =	simm.s32 $_tile_overlayer_lowered  }
0x13: {  	s23 =	simm.s32 $0x1BFF;
	s22 =	sshll.u32 s6, $0x1;
	s3 =	sadd.s32 s4, s20  }
0x14: {  	s7 =	simm.s32 $0x0;
	s21 =	sshll.u32 s5, $0x1;
	s5 =	sadd.s32 s22, s3  }
0x15: {  	[timem:s7], [sflag:s23] =	dma.local [hbm:s5], s21  }
0x16: {  	_ =	swait.ge [sflag:s23], s21  }
0x17: {  	s4 =	ssub.s32 $0x0, s21;
	[sflag:s23] =	ssyncset.done $0x0  }
0x18: {  	[sflag:s23] =	ssyncadd.s32 s4;
	_ =	sdelay $0x1  }
0x19: {  	s24 =	simm.s32 $0x1B8B  }
0x1a: {  	_ =	swait.ge [sflag:s24], $0x1  }
0x1b: {  	[sflag:s24] =	ssyncset.done $0x0  }
0x1c: {  	s26 =	simm.s32 $0x1B8E;
	s25 =	sld [smem:$0x3FFE];
	[sflag:s24] =	ssyncadd.s32 $0xFFFFFFFF  }
0x1d: {  	s27 =	simm.s32 $execute0_lowered;
	[smem:$0x3FD2] =	sst s26  }
0x1e: {  	s5 =	sshll.u32 s27, $0x1;
	_ =	strace $0x80000049;
	[dreg:$0x1] =	wrdreg $0xFFFFFFFF  }
0x1f: {  	s28 =	simm.s32 $_size_execute0_lowered;
	s3 =	sadd.s32 s3, s5;
	[dreg:$0x0] =	wrdreg $0x0  }
0x20: {  	s5 =	sshll.u32 s28, $0x1;
	[dreg:$0x2] =	wrdreg s3  }
0x21: {  	[dreg:$0x3] =	wrdreg s5  }
0x22: {  	[dreg:$0x4] =	wrdreg $0xC0  }
0x23: {  	_ =	task [dreg:s7], $0x5FFFF  }
0x24: {  	[dreg:$0x1] =	wrdreg $0xFFFFFFFF  }
0x25: {  	[dreg:$0x0] =	wrdreg $0x60  }
0x26: {  	[dreg:$0x2] =	wrdreg s25  }
0x27: {  	[dreg:$0x3] =	wrdreg s2  }
0x28: {  	[dreg:$0x4] =	wrdreg $0x9  }
0x29: {  	_ =	task.clear_ibuf [dreg:s7], $0x5FFFF;
	_ =	strace $0x90000049  }
0x2a: {  	s29 =	simm.s32 $0x9;
	_ =	strace $0x8000004B  }
0x2b: {  	_ =	swait.ge [sflag:s29], $0x1  }
0x2c: {  	[sflag:s29] =	ssyncadd.s32 $0xFFFFFFFF  }
0x2d: {  	_ =	strace $0x9000004B  }
0x2e: {  	_ =	sfence  }
0x2f: {  	s30 =	sld [smem:$0x0];
	_ =	sdelay $0x2  }
0x30: {  	s31 =	sshll.u32 s1, $0xD;
	s1 =	sshrl.u32 s1, $0x2  }
0x31: {  	s3 =	sand.u32 $0x4000, s31;
	s1 =	sadd.s32 s1, s30  }
0x32: {  	s0 =	sor.u32 s3, s0;
	s1 =	sshll.u32 s1, $0x11  }
0x33: {  	s0 =	sor.u32 s1, s0  }
0x34: {  	s0 =	sadd.s32 $0x8F2B, s0  }
0x35: {  	[sflag:s0] =	ssyncadd.remote.s32 $0x1  }
0x36: {  	_ =	sfence.sel $0xFFFF  }
0x37: {  	[dreg:$0x0] =	wrdreg $0xFFFFFFFF;
	(pc) =	sbr.abs _section_cstart, $3  }
0x38: {  	[dreg:$0x1] =	wrdreg $0xFFFFFFFF  }
0x39: {  	_ =	task.clear_ibuf [dreg:s7], $0x2FFFF;
	_ =	strace $0x9FFFFFFF  }
0x3a: {  	(tm) =	ssettm $0x7FFFFFFF  }
0x3b: {  	_ =	shalt  }
tec
execute0_lowered:
.L_overlay_start_1:
0x0: {  	(tag) =	ssettag $0x1  }
0x1: {  	s0 =	srdreg.scid  }
0x2: {  	s1 =	sshll.u32 s0, $0x4  }
0x3: {  	s0 =	stileid.u32;
	s1 =	sand.u32 $0x10, s1  }
0x4: {  	s1 =	sor.u32 s0, s1  }
0x5: {  	s6 =	rddreg [dreg:$0x0];
	s4 =	simm.s32 $0x1;
	s2 =	sshll.u32 s1, $0x7  }
0x6: {  	s7 =	simm.s32 $0x2;
	s12 =	simm.s32 $0x0;
	s1 =	ssub.s32 $0x4000, s2  }
0x7: {  	s8 =	simm.s32 $0x20000;
	s13 =	simm.s32 $0x0;
	s3 =	sand.u32 $0xF80, s1  }
0x8: {  	s9 =	simm.s32 $0x0;
	s5 =	sshrl.u32 s1, $0xC;
	p0 =	sne.s32 s3, $0x0  }
.Ltmp0:
0x9: {  	s1 =	rddreg [dreg:$0x2];
	s4 =	simm.s32 @!p0 $0x0;
	(pc) =	sbr.rel .LBB1_1-.Ltmp0, $4  }
0xa: {  	s11 =	simm.s32 $0x0;
	s3 =	rddreg [dreg:$0x1];
	s5 =	sadd.s32 s4, s5  }
0xb: {  	_ =	strace $0x8000004A;
	s4 =	simm.s32 $0x1;
	s5 =	smul.u32 $0x64, s5  }
0xc: {  	s6 =	sadd.s32 $0x800, s6;
	s10 =	smov.u32 s2;
	[sflag:s4] =	ssyncpa.u1 $0x0  }
0xd: {  	p0 =	por $0x0, $0x0;
	[sflag:s7] =	ssyncpa.u1 $0x0;
	s7 =	sor.u32 $0x1, s5  }
.LBB1_4:
0xe: {  	s16 =	sshll.u32 s13, $0x3;
	s17 =	sand.u32 $0x78, s13  }
0xf: {  	s30 =	sand.u32 $0x1F800, s13;
	s12 =	sshll.u32 s12, $0x11;
	s16 =	sand.u32 $0x3C00, s16  }
0x10: {  	[tilespmem:s15+$0x810 ss:$0x81] =	vst.msk $0xffff, v2;
	s31 =	sand.u32 $0x7, s13;
	s16 =	sor.u32 s17, s16;
	s17 =	sadd.s32 s3, s30  }
0x11: {  	[tilespmem:s15+$0x1020 ss:$0x81] =	vst.msk $0xffff, v0;
	s13 =	sshll.u32 s31, $0x12;
	s12 =	sadd.s32 s12, s17;
	s16 =	sshrl.u32 s16, $0x3  }
0x12: {  	[tilespmem:s15+$0x0 ss:$0x81] =	vst.msk $0xffff, v1;
	s13 =	sor.u32 $0x400, s13;
	s12 =	sadd.s32 s16, s12  }
0x13: {  	[hbm4b:s12+s13] =	stream.strided.scatter [tilespmem:s14], [sflag:$0x2], $0x2000, s8, s13, $0x20;
	[tilespmem:$0x8080] =	vst v63  }
.LBB1_5:
0x14: {  	s14 =	sadd.s32 $0x1, s9  }
0x15: {  	s12 =	sadd.s32 $0x1000, s10;
	s16 =	smov.u32 s10;
	p2 =	sgt.s32 s14, $0x63  }
0x16: {  	s16 =	smov.u32 @p2 s12  }
0x17: {  	s14 =	simm.s32 @p2 $0x0;
	p2 =	sgt.s32 s16, $0x3FFF  }
0x18: {  	s16 =	smov.u32 @p2 s2;
	p2 =	sne.s32 s11, s7  }
.Ltmp1:
0x19: {  	p1 =	slt.u32 s11, $0x2;
	(pc) =	sbr.rel @!p2 .LBB1_6-.Ltmp1, $4  }
0x1a: {  	s15 =	simm.s32 @!p1 $0x2  }
0x1b: {  	s13 =	smov.u32 s10;
	p0 =	por !p0, !p0;
	_ =	swait.ge @!p1 [sflag:s15], $0x2000  }
0x1c: {  	s12 =	smov.u32 s9;
	[sflag:s15] =	ssyncset.done @!p1 $0x0;
	s9 =	smov.u32 s14  }
0x1d: {  	s11 =	sadd.s32 $0x1, s11;
	[sflag:s15] =	ssyncadd.s32 @!p1 $0xFFFFE000;
	s10 =	smov.u32 s16  }
.LBB1_1:
0x1e: {  	p1 =	sge.u32 s11, s5  }
0x1f: {  	s14 =	sand.u32 @!p1 $0x1FFFFFF, s9  }
0x20: {  	s15 =	smulhi.u32 @!p1 $0x2762763, s14;
	_ =	sdelay $0x1  }
0x21: {  	s15 =	smul.u32 @!p1 $0x68, s15  }
0x22: {  	s16 =	sxor.u32 @!p1 $0xFFFFFFFF, s11;
	s17 =	smul.u32 @!p1 $0x680, s10  }
0x23: {  	s31 =	sadd.s32 $0xFFFFFFFF, s11;
	s16 =	sshll.u32 @!p1 s16, $0xD;
	s14 =	ssub.s32 @!p1 s14, s15  }
0x24: {  	s15 =	sand.u32 @!p1 $0x2000, s16;
	s16 =	sadd.s32 @!p1 s6, s17;
	s14 =	sshll.u32 @!p1 s14, $0x4  }
0x25: {  	s17 =	simm.s32 @!p1 $0x3400;
	s14 =	sadd.s32 @!p1 s14, s16;
	s16 =	simm.s32 @!p1 $0x40  }
0x26: {  	[tilespmem:s15], [sflag:$0x1] =	stream.strided.gather @!p1 [hbm4b:s14+s16], $0x2000, s17, s16, $0x38;
	[tilespmem:$0x8080] =	vst v63  }
0x27: {  	p1 =	sge.u32 s31, s5  }
.Ltmp2:
0x28: {  	_ = 	snop;
	(pc) =	sbr.rel @p1 .LBB1_5-.Ltmp2, $1  }
0x29: {  	_ =	sdelay $0x3  }
0x2a: {  	s14 =	simm.s32 $0x1  }
0x2b: {  	_ =	swait.ge [sflag:s4], $0x2000;
	s14 =	simm.s32 @!p0 $0x0  }
0x2c: {  	[sflag:s4] =	ssyncset.done $0x0;
	s15 =	sshll.u32 s14, $0xD  }
0x2d: {  	[sflag:s4] =	ssyncadd.s32 $0xFFFFE000;
	s18 =	sor.u32 $0x20, s15  }
0x2e: {  	s14 =	smul.u32 $0x8100, s14;
	v3 =	vld [tilespmem:s18+$0x10]  }
0x2f: {  	s30 =	sand.u32 $0x1, s11;
	v2 =	vld [tilespmem:s18+$0xFFFFFFF0]  }
0x30: {  	s15 =	smul.u32 $0x8100, s30;
	s14 =	sshrl.u32 s14, $0x2;
	v0 =	vld [tilespmem:s18+$0x0]  }
0x31: {  	v1 =	vld [tilespmem:s18+$0xFFFFFFE0];
	s16 =	sor.u32 $0x4000, s14  }
0x32: {  	s31 =	sshrl.u32 s15, $0x2;
	s15 =	sadd.s32 $0x0, s16  }
0x33: {  	s17 =	simm.s32 $0x4;
	s18 =	sadd.s32 $0x40, s18;
	s14 =	sor.u32 $0x4000, s31;
	[tilespmem:s15+$0x1830 ss:$0x81] =	vst.msk $0xffff, v3  }
.LBB1_3:
0x34: {  	v3 =	vld [tilespmem:s18+$0x10];
	p1 =	sne.s32 s17, $0x1FC;
	[tilespmem:s15+$0x810 ss:$0x81] =	vst.msk $0xffff, v2;
	s19 =	smov.u32 s17;
	s17 =	sadd.s32 $0x4, s17  }
.Ltmp3:
0x35: {  	v2 =	vld [tilespmem:s18+$0xFFFFFFF0];
	[tilespmem:s15+$0x1020 ss:$0x81] =	vst.msk $0xffff, v0;
	(pc) =	sbr.rel @p1 .LBB1_3-.Ltmp3, $4  }
0x36: {  	v0 =	vld [tilespmem:s18+$0x0];
	[tilespmem:s15+$0x0 ss:$0x81] =	vst.msk $0xffff, v1  }
0x37: {  	s15 =	sshra.s32 s19, $0x2;
	v1 =	vld [tilespmem:s18+$0xFFFFFFE0]  }
0x38: {  	s15 =	sadd.s32 s15, s16  }
0x39: {  	s18 =	sadd.s32 $0x40, s18;
	[tilespmem:s15+$0x1830 ss:$0x81] =	vst.msk $0xffff, v3  }
.Ltmp4:
0x3a: {  	_ = 	snop;
	(pc) =	sbr.rel .LBB1_4-.Ltmp4, $1  }
0x3b: {  	_ =	sdelay $0x3  }
.LBB1_6:
0x3c: {  	_ =	sfence.sel $0x180000  }
0x3d: {  	s2 =	simm.s32 $0x1;
	[bflag:$0x0] =	sbarrier.arrive $0xFFFF  }
0x3e: {  	s31 =	simm.s32 $0x2;
	[sflag:s2] =	ssyncpa.u1 $0x1  }
0x3f: {  	[sflag:s31] =	ssyncpa.u1 $0x1  }
0x40: {  	p0 =	sne.s32 s0, $0x0;
	_ =	strace $0x9000004A  }
0x41: {  	s0 =	sadd.s32 @!p0 $0x100000, s1;
	[bflag:$0x2] =	sbarrier.arrive $0xFFFF  }
0x42: {  	[sflag:s0] =	ssyncadd.tile.s32 @!p0 $0x1;
	_ =	shalt  }
.Lfunc_end1:
_tile_overlayer_lowered:
.L_overlay_start_2:
0x43: {  	(tag) =	ssettag $0x2  }
0x44: {  	s0 =	rddreg [dreg:$0x0];
	s2 =	stileid.u32  }
0x45: {  	s1 =	rddreg [dreg:$0x1];
	p0 =	sne.s32 s2, $0x0  }
0x46: {  	s3 =	rddreg [dreg:$0x2];
	[bflag:$0x3] =	sbarrier.arrive $0xFFFF;
	s2 =	simm.s32 @!p0 $0x1C01  }
0x47: {  	[timem:s3], [sflag:s2] =	dma.local @!p0 [hbm:s0], s1  }
0x48: {  	s0 =	simm.s32 @!p0 $0x1  }
0x49: {  	_ =	swait.ge @!p0 [sflag:s0], s1  }
0x4a: {  	s1 =	ssub.s32 @!p0 $0x0, s1;
	[sflag:s0] =	ssyncset.done @!p0 $0x0  }
0x4b: {  	[sflag:s0] =	ssyncadd.s32 @!p0 s1  }
0x4c: {  	[bflag:$0x3] =	sbarrier.arrive $0xFFFF  }
0x4d: {  	_ =	shalt  }

</sc_bundles>
